<compile_context>
chip_gen: v7x
topology: tpu7x:2x2x1
jax: 0.10.2.dev20260603
libtpu: 0.0.44.dev20260713+nightly
codegen_flags: <defaults>
</compile_context>

<pallas_src>
import functools

import jax
import jax.numpy as jnp
from jax import lax
from jax.experimental import pallas as pl
from jax.experimental.pallas import tpu as pltpu
from jax.experimental.pallas import tpu_sc as plsc

_NC = 2
_NS = 16
_NW = _NC * _NS
_L = 16
_CW = 128
_TCH = 80
_ZR = 80


def _sc_mesh():
    return plsc.VectorSubcoreMesh(core_axis_name="c", subcore_axis_name="s")


def _deg_partials(edge_index, n):
    e = edge_index.shape[1]
    ept = e // _NW
    dk = 80
    nch = ept // dk
    nzc = n // _ZR

    @functools.partial(
        pl.kernel,
        out_type=jax.ShapeDtypeStruct((_NC, n, _L), jnp.float32),
        mesh=_sc_mesh(),
        compiler_params=pltpu.CompilerParams(use_tc_tiling_on_sc=False),
        scratch_types=[
            pltpu.VMEM((ept,), jnp.int32),
            pltpu.VMEM((dk, _L), jnp.float32),
            pltpu.VMEM((_ZR, _L), jnp.float32),
            pltpu.VMEM_SHARED((n, _L), jnp.float32),
            pltpu.SemaphoreType.DMA,
        ],
    )
    def deg_kernel(ei_hbm, out_hbm, rowA, ones_v, zeros_v, acc_sh, sem):
        cid = lax.axis_index("c")
        sid = lax.axis_index("s")
        wid = cid * _NS + sid

        pltpu.sync_copy(ei_hbm.at[0, pl.ds(wid * ept, ept)], rowA)

        @pl.loop(0, dk)
        def _(i):
            ones_v[i, :] = jnp.ones((_L,), jnp.float32)

        @pl.loop(0, _ZR)
        def _(i):
            zeros_v[i, :] = jnp.zeros((_L,), jnp.float32)

        @pl.loop(sid, nzc, step=_NS)
        def _(j):
            pltpu.sync_copy(zeros_v, acc_sh.at[pl.ds(j * _ZR, _ZR)])

        plsc.subcore_barrier()

        @pl.loop(0, nch // 5)
        def _(k):
            @pl.loop(0, 5)
            def _(j):
                c = k * 5 + j
                pltpu.async_copy(ones_v, acc_sh.at[rowA.at[pl.ds(c * dk, dk)]],
                                 sem, add=True)

            @pl.loop(0, 5)
            def _(j):
                c = k * 5 + j
                pltpu.make_async_copy(ones_v,
                                      acc_sh.at[rowA.at[pl.ds(c * dk, dk)]],
                                      sem).wait()

        plsc.subcore_barrier()

        @pl.loop(sid, nzc, step=_NS)
        def _(j):
            pltpu.sync_copy(acc_sh.at[pl.ds(j * _ZR, _ZR)],
                            out_hbm.at[cid, pl.ds(j * _ZR, _ZR)])

    return deg_kernel(edge_index)


def _edge_partials(hs, edge_index):
    n, d = hs.shape
    e = edge_index.shape[1]
    ept = e // _NW
    dk = 80
    nch = ept // dk
    nzc = n // dk

    @functools.partial(
        pl.kernel,
        out_type=jax.ShapeDtypeStruct((_NC, n, d), jnp.float32),
        mesh=_sc_mesh(),
        compiler_params=pltpu.CompilerParams(use_tc_tiling_on_sc=False),
        scratch_types=[
            pltpu.VMEM((ept,), jnp.int32),
            pltpu.VMEM((ept,), jnp.int32),
            pltpu.VMEM((3, dk, d), jnp.float32),
            pltpu.VMEM_SHARED((n, d), jnp.float32),
            pltpu.SemaphoreType.DMA,
            pltpu.SemaphoreType.DMA,
            pltpu.SemaphoreType.DMA,
        ],
    )
    def pump_kernel(hs_hbm, ei_hbm, out_hbm,
                    colA, rowA, bufs, acc_sh, sem0, sem1, sem2):
        cid = lax.axis_index("c")
        sid = lax.axis_index("s")
        wid = cid * _NS + sid

        pltpu.sync_copy(ei_hbm.at[1, pl.ds(wid * ept, ept)], colA)
        pltpu.sync_copy(ei_hbm.at[0, pl.ds(wid * ept, ept)], rowA)

        @pl.loop(0, dk)
        def _(i):
            @pl.loop(0, d // _L)
            def _(j):
                bufs[0, i, pl.ds(j * _L, _L)] = jnp.zeros((_L,), jnp.float32)

        @pl.loop(sid, nzc, step=_NS)
        def _(j):
            pltpu.sync_copy(bufs.at[0], acc_sh.at[pl.ds(j * dk, dk)])

        plsc.subcore_barrier()

        def gstart(c, b, sem):
            pltpu.async_copy(hs_hbm.at[colA.at[pl.ds(c * dk, dk)]],
                             bufs.at[b], sem)

        def gwait(c, b, sem):
            pltpu.make_async_copy(hs_hbm.at[colA.at[pl.ds(c * dk, dk)]],
                                  bufs.at[b], sem).wait()

        def scat(c, b):
            pltpu.sync_copy(bufs.at[b], acc_sh.at[rowA.at[pl.ds(c * dk, dk)]],
                            add=True)

        sems = (sem0, sem1, sem2)
        nb = 3
        body = (nch // nb - 1) * nb

        for b in range(nb):
            gstart(b, b, sems[b])

        @pl.loop(0, body // nb)
        def _(p):
            for k in range(nb):
                c = nb * p + k
                gwait(c, k, sems[k])
                scat(c, k)
                gstart(c + nb, k, sems[k])

        for c0 in range(body, nch):
            b = c0 % nb
            gwait(c0, b, sems[b])
            scat(c0, b)
            if c0 + nb < nch:
                gstart(c0 + nb, b, sems[b])

        plsc.subcore_barrier()

        @pl.loop(sid, nzc, step=_NS)
        def _(j):
            pltpu.sync_copy(acc_sh.at[pl.ds(j * dk, dk)],
                            out_hbm.at[cid, pl.ds(j * dk, dk)])

    return pump_kernel(hs, edge_index)


def _matmul_scale(x, weight, degp):
    n, din = x.shape
    dout = weight.shape[1]
    blk = 1000

    def body(x_ref, w_ref, d_ref, o_ref):
        h = jnp.dot(x_ref[...], w_ref[...],
                    preferred_element_type=jnp.float32)
        deg = d_ref[0, :, 0:1] + d_ref[1, :, 0:1] + 1.0
        o_ref[...] = h * lax.rsqrt(deg)

    return pl.pallas_call(
        body,
        grid=(n // blk,),
        in_specs=[
            pl.BlockSpec((blk, din), lambda i: (i, 0)),
            pl.BlockSpec((din, dout), lambda i: (0, 0)),
            pl.BlockSpec((_NC, blk, _L), lambda i: (0, i, 0)),
        ],
        out_specs=pl.BlockSpec((blk, dout), lambda i: (i, 0)),
        out_shape=jax.ShapeDtypeStruct((n, dout), jnp.float32),
    )(x, weight, degp)


def _finish(hs, accp, degp, bias):
    n, d = hs.shape
    blk = 1000

    def body(hs_ref, a_ref, d_ref, b_ref, o_ref):
        deg = d_ref[0, :, 0:1] + d_ref[1, :, 0:1] + 1.0
        nrm = lax.rsqrt(deg)
        o_ref[...] = nrm * (a_ref[0] + a_ref[1] + hs_ref[...]) + b_ref[...]

    return pl.pallas_call(
        body,
        grid=(n // blk,),
        in_specs=[
            pl.BlockSpec((blk, d), lambda i: (i, 0)),
            pl.BlockSpec((_NC, blk, d), lambda i: (0, i, 0)),
            pl.BlockSpec((_NC, blk, _L), lambda i: (0, i, 0)),
            pl.BlockSpec((1, d), lambda i: (0, 0)),
        ],
        out_specs=pl.BlockSpec((blk, d), lambda i: (i, 0)),
        out_shape=jax.ShapeDtypeStruct((n, d), jnp.float32),
    )(hs, accp, degp, bias.reshape(1, d))


def kernel(x, edge_index, weight, bias):
    n = x.shape[0]
    degp = _deg_partials(edge_index, n)
    hs = _matmul_scale(x, weight, degp)
    accp = _edge_partials(hs, edge_index)
    return _finish(hs, accp, degp, bias)

# --- scband reference (transcript-rebuilt; emitter-appended) ---
"""Pipeline reference for scband-graph-conv-69707319214514 (READ-ONLY COPY).

The authoritative reference and input builder live on the scoring server;
editing this copy changes nothing except your own understanding.
"""

import jax, jax.numpy as jnp
import numpy as np

N = 10000
E = 320000
DIN = 128
DOUT = 128

def setup_inputs(seed: int = 0) -> dict:
    key = jax.random.key(seed)
    k1, k2, k3, k4 = jax.random.split(key, 4)
    x = jax.random.normal(k1, (N, DIN), dtype=jnp.float32)
    edge_index = jax.random.randint(k2, (2, E), 0, N, dtype=jnp.int32)
    bound = 1.0 / np.sqrt(DIN)
    weight = jax.random.uniform(k3, (DIN, DOUT), dtype=jnp.float32, minval=-bound, maxval=bound)
    bias = jax.random.uniform(k4, (DOUT,), dtype=jnp.float32, minval=-bound, maxval=bound)
    return {"x": x, "edge_index": edge_index, "weight": weight, "bias": bias}

def reference(x, edge_index, weight, bias):
    n = x.shape[0]
    row = edge_index[0]
    col = edge_index[1]
    # add self-loops: A_hat = A + I
    loop = jnp.arange(n, dtype=row.dtype)
    row = jnp.concatenate([row, loop])
    col = jnp.concatenate([col, loop])
    # degree of A_hat (counted on destination/row index)
    deg = jnp.zeros((n,), dtype=x.dtype).at[row].add(1.0)
    norm = jax.lax.rsqrt(deg)
    # linear transform
    h = x @ weight
    # normalized message passing: D^-1/2 A_hat D^-1/2 (X W)
    coeff = norm[row] * norm[col]
    msg = h[col] * coeff[:, None]
    out = jnp.zeros((n, weight.shape[1]), dtype=x.dtype).at[row].add(msg)
    out = out + bias
    return out

if __name__ == "__main__":
    import jax
    _d = setup_inputs()
    print(jax.jit(kernel)(*tuple(_d.values())))

</pallas_src>

<mosaic_0001>
#map = affine_map<(d0, d1) -> (0, 0)>
#map1 = affine_map<(d0, d1) -> (0, 0, 0)>
module attributes {stable_mosaic.version = 14 : i64} {
  func.func @pump_kernel(%arg0: i32, %arg1: i32, %arg2: memref<10000x128xf32, #tpu.memory_space<hbm>>, %arg3: memref<2x320000xi32, #tpu.memory_space<hbm>>, %arg4: memref<2x10000x128xf32, #tpu.memory_space<hbm>>, %arg5: memref<10000xi32, #tpu.memory_space<vmem>>, %arg6: memref<10000xi32, #tpu.memory_space<vmem>>, %arg7: memref<3x80x128xf32, #tpu.memory_space<vmem>>, %arg8: memref<10000x128xf32, #tpu.memory_space<vmem_shared>>, %arg9: memref<!tpu.dma_semaphore, #tpu.memory_space<semaphore_mem>>, %arg10: memref<!tpu.dma_semaphore, #tpu.memory_space<semaphore_mem>>, %arg11: memref<!tpu.dma_semaphore, #tpu.memory_space<semaphore_mem>>) attributes {dimension_semantics = [#tpu.dimension_semantics<core_parallel>, #tpu.dimension_semantics<subcore_parallel>], iteration_bounds = array<i64: 2, 16>, scalar_prefetch = 0 : i64, scratch_operands = 7 : i64, tpu.core_type = #tpu.core_type<sc_vector_subcore>, window_params = [{transform_indices = #map}, {transform_indices = #map}, {transform_indices = #map1}]} {
    %mul3A = arith.constant 16 : i32
    %mul3A_0 = arith.muli %arg0, %mul3A : i32
    %add3A = arith.addi %mul3A_0, %arg1 : i32
    %mul3A_1 = arith.constant 10000 : i32
    %mul3A_2 = arith.muli %add3A, %mul3A_1 : i32
    %run_scoped3A = arith.constant 1 : i32
    "tpu.region"() ({
      %run_scoped3A_152 = tpu.sem_alloc : memref<!tpu.dma_semaphore, #tpu.memory_space<semaphore_mem>>
      %dma_start3A_153 = tpu.memref_slice %arg3[%run_scoped3A, %mul3A_2] : memref<2x320000xi32, #tpu.memory_space<hbm>> -> memref<1x10000xi32, #tpu.memory_space<hbm>>
      %dma_start3A_154 = tpu.memref_squeeze %dma_start3A_153 : memref<1x10000xi32, #tpu.memory_space<hbm>> -> memref<10000xi32, #tpu.memory_space<hbm>>
      %dma_start3A_155 = tpu.memref_slice %arg3[%run_scoped3A, %mul3A_2] : memref<2x320000xi32, #tpu.memory_space<hbm>> -> memref<1x10000xi32, #tpu.memory_space<hbm>>
      %dma_start3A_156 = tpu.memref_squeeze %dma_start3A_155 : memref<1x10000xi32, #tpu.memory_space<hbm>> -> memref<10000xi32, #tpu.memory_space<hbm>>
      tpu.enqueue_dma source(%dma_start3A_156 : memref<10000xi32, #tpu.memory_space<hbm>>) target(%arg5 : memref<10000xi32, #tpu.memory_space<vmem>>) target_semaphore(%run_scoped3A_152 : memref<!tpu.dma_semaphore, #tpu.memory_space<semaphore_mem>>)
      %dma_wait3A_157 = tpu.memref_slice %arg3[%run_scoped3A, %mul3A_2] : memref<2x320000xi32, #tpu.memory_space<hbm>> -> memref<1x10000xi32, #tpu.memory_space<hbm>>
      %dma_wait3A_158 = tpu.memref_squeeze %dma_wait3A_157 : memref<1x10000xi32, #tpu.memory_space<hbm>> -> memref<10000xi32, #tpu.memory_space<hbm>>
      %dma_wait3A_159 = tpu.memref_slice %arg3[%run_scoped3A, %mul3A_2] : memref<2x320000xi32, #tpu.memory_space<hbm>> -> memref<1x10000xi32, #tpu.memory_space<hbm>>
      %dma_wait3A_160 = tpu.memref_squeeze %dma_wait3A_159 : memref<1x10000xi32, #tpu.memory_space<hbm>> -> memref<10000xi32, #tpu.memory_space<hbm>>
      tpu.wait_dma2 semaphore(%run_scoped3A_152 : memref<!tpu.dma_semaphore, #tpu.memory_space<semaphore_mem>>) src(%dma_wait3A_160 : memref<10000xi32, #tpu.memory_space<hbm>>) dst(%arg5 : memref<10000xi32, #tpu.memory_space<vmem>>)
      tpu.yield
    }) : () -> ()
    %mul3A_3 = arith.constant 10000 : i32
    %mul3A_4 = arith.muli %add3A, %mul3A_3 : i32
    %run_scoped3A_5 = arith.constant 0 : i32
    "tpu.region"() ({
      %run_scoped3A_152 = tpu.sem_alloc : memref<!tpu.dma_semaphore, #tpu.memory_space<semaphore_mem>>
      %dma_start3A_153 = tpu.memref_slice %arg3[%run_scoped3A_5, %mul3A_4] : memref<2x320000xi32, #tpu.memory_space<hbm>> -> memref<1x10000xi32, #tpu.memory_space<hbm>>
      %dma_start3A_154 = tpu.memref_squeeze %dma_start3A_153 : memref<1x10000xi32, #tpu.memory_space<hbm>> -> memref<10000xi32, #tpu.memory_space<hbm>>
      %dma_start3A_155 = tpu.memref_slice %arg3[%run_scoped3A_5, %mul3A_4] : memref<2x320000xi32, #tpu.memory_space<hbm>> -> memref<1x10000xi32, #tpu.memory_space<hbm>>
      %dma_start3A_156 = tpu.memref_squeeze %dma_start3A_155 : memref<1x10000xi32, #tpu.memory_space<hbm>> -> memref<10000xi32, #tpu.memory_space<hbm>>
      tpu.enqueue_dma source(%dma_start3A_156 : memref<10000xi32, #tpu.memory_space<hbm>>) target(%arg6 : memref<10000xi32, #tpu.memory_space<vmem>>) target_semaphore(%run_scoped3A_152 : memref<!tpu.dma_semaphore, #tpu.memory_space<semaphore_mem>>)
      %dma_wait3A_157 = tpu.memref_slice %arg3[%run_scoped3A_5, %mul3A_4] : memref<2x320000xi32, #tpu.memory_space<hbm>> -> memref<1x10000xi32, #tpu.memory_space<hbm>>
      %dma_wait3A_158 = tpu.memref_squeeze %dma_wait3A_157 : memref<1x10000xi32, #tpu.memory_space<hbm>> -> memref<10000xi32, #tpu.memory_space<hbm>>
      %dma_wait3A_159 = tpu.memref_slice %arg3[%run_scoped3A_5, %mul3A_4] : memref<2x320000xi32, #tpu.memory_space<hbm>> -> memref<1x10000xi32, #tpu.memory_space<hbm>>
      %dma_wait3A_160 = tpu.memref_squeeze %dma_wait3A_159 : memref<1x10000xi32, #tpu.memory_space<hbm>> -> memref<10000xi32, #tpu.memory_space<hbm>>
      tpu.wait_dma2 semaphore(%run_scoped3A_152 : memref<!tpu.dma_semaphore, #tpu.memory_space<semaphore_mem>>) src(%dma_wait3A_160 : memref<10000xi32, #tpu.memory_space<hbm>>) dst(%arg6 : memref<10000xi32, #tpu.memory_space<vmem>>)
      tpu.yield
    }) : () -> ()
    %scan3A = arith.constant 0 : i32
    %scan3A_6 = arith.constant 80 : i32
    %scan3A_7 = arith.addi %scan3A, %scan3A_6 : i32
    %scan3A_8 = arith.constant 1 : i32
    scf.for %scan3A_152 = %scan3A to %scan3A_7 step %scan3A_8  : i32 {
      %mul3A_153 = arith.constant 1 : i32
      %mul3A_154 = arith.muli %scan3A_152, %mul3A_153 : i32
      %add3A_155 = arith.constant 0 : i32
      %add3A_156 = arith.addi %add3A_155, %mul3A_154 : i32
      %scan3A_157 = arith.constant 0 : i32
      %scan3A_158 = arith.constant 8 : i32
      %scan3A_159 = arith.addi %scan3A_157, %scan3A_158 : i32
      %scan3A_160 = arith.constant 1 : i32
      scf.for %scan3A_162 = %scan3A_157 to %scan3A_159 step %scan3A_160  : i32 {
        %mul3A_163 = arith.constant 1 : i32
        %mul3A_164 = arith.muli %scan3A_162, %mul3A_163 : i32
        %add3A_165 = arith.constant 0 : i32
        %add3A_166 = arith.addi %add3A_165, %mul3A_164 : i32
        %broadcast_in_dim3A = arith.constant 0.000000e+00 : f32
        %broadcast_in_dim3A_167 = vector.broadcast %broadcast_in_dim3A : f32 to vector<16xf32>
        %mul3A_168 = arith.constant 16 : i32
        %mul3A_169 = arith.muli %add3A_166, %mul3A_168 : i32
        %swap3A = arith.constant 0 : i32
        %swap3A_170 = arith.index_cast %swap3A : i32 to index
        %swap3A_171 = arith.index_cast %add3A_156 : i32 to index
        %swap3A_172 = arith.index_cast %mul3A_169 : i32 to index
        %swap3A_173 = tpu.vector_load %arg7[%swap3A_170, %swap3A_171, %swap3A_172] {strides = array<i32>} : memref<3x80x128xf32, #tpu.memory_space<vmem>>, vector<1x1x16xf32>,
        %swap3A_174 = vector.shape_cast %swap3A_173 : vector<1x1x16xf32> to vector<16xf32>
        %swap3A_175 = vector.shape_cast %broadcast_in_dim3A_167 : vector<16xf32> to vector<1x1x16xf32>
        tpu.vector_store %arg7[%swap3A_170, %swap3A_171, %swap3A_172], %swap3A_175 {strides = array<i32>} : memref<3x80x128xf32, #tpu.memory_space<vmem>>, vector<1x1x16xf32>,
      }
      %scan3A_161 = arith.constant 8 : i32
    }
    %scan3A_9 = arith.constant 80 : i32
    %sub3A = arith.constant 125 : i32
    %sub3A_10 = arith.subi %sub3A, %arg1 : i32
    %sub3A_11 = arith.constant 16 : i32
    %sub3A_12 = arith.constant 1 : i32
    %sub3A_13 = arith.subi %sub3A_11, %sub3A_12 : i32
    %add3A_14 = arith.addi %sub3A_10, %sub3A_13 : i32
    %div3A = arith.constant 16 : i32
    %div3A_15 = arith.divsi %add3A_14, %div3A : i32
    %while3A = arith.constant 16 : i32
    %while3A_16 = arith.constant 0 : i32
    %while3A_17 = arith.subi %div3A_15, %while3A_16 : i32
    %while3A_18 = arith.addi %while3A_16, %while3A_17 : i32
    %while3A_19 = arith.constant 1 : i32
    %while3A_20 = arith.divsi %while3A_17, %while3A_19 : i32
    %while3A_21 = arith.muli %while3A_20, %while3A_19 : i32
    %while3A_22 = arith.addi %while3A_16, %while3A_21 : i32
    %while3A_23 = arith.constant 1 : i32
    scf.for %while3A_152 = %while3A_16 to %while3A_22 step %while3A_23  : i32 {
      %mul3A_153 = arith.muli %while3A_152, %while3A : i32
      %add3A_154 = arith.addi %arg1, %mul3A_153 : i32
      %mul3A_155 = arith.constant 80 : i32
      %mul3A_156 = arith.muli %add3A_154, %mul3A_155 : i32
      %run_scoped3A_157 = arith.constant 0 : i32
      "tpu.region"() ({
        %run_scoped3A_158 = tpu.sem_alloc : memref<!tpu.dma_semaphore, #tpu.memory_space<semaphore_mem>>
        %dma_start3A_159 = arith.constant 0 : i32
        %dma_start3A_160 = arith.constant 0 : i32
        %dma_start3A_161 = tpu.memref_slice %arg7[%run_scoped3A_157, %dma_start3A_159, %dma_start3A_160] : memref<3x80x128xf32, #tpu.memory_space<vmem>> -> memref<1x80x128xf32, #tpu.memory_space<vmem>>
        %dma_start3A_162 = tpu.memref_squeeze %dma_start3A_161 : memref<1x80x128xf32, #tpu.memory_space<vmem>> -> memref<80x128xf32, #tpu.memory_space<vmem>>
        %dma_start3A_163 = arith.constant 0 : i32
        %dma_start3A_164 = tpu.memref_slice %arg8[%mul3A_156, %dma_start3A_163] : memref<10000x128xf32, #tpu.memory_space<vmem_shared>> -> memref<80x128xf32, #tpu.memory_space<vmem_shared>>
        %dma_start3A_165 = arith.constant 0 : i32
        %dma_start3A_166 = tpu.memref_slice %arg8[%mul3A_156, %dma_start3A_165] : memref<10000x128xf32, #tpu.memory_space<vmem_shared>> -> memref<80x128xf32, #tpu.memory_space<vmem_shared>>
        %dma_start3A_167 = arith.constant 0 : i32
        %dma_start3A_168 = arith.constant 0 : i32
        %dma_start3A_169 = tpu.memref_slice %arg7[%run_scoped3A_157, %dma_start3A_167, %dma_start3A_168] : memref<3x80x128xf32, #tpu.memory_space<vmem>> -> memref<1x80x128xf32, #tpu.memory_space<vmem>>
        %dma_start3A_170 = tpu.memref_squeeze %dma_start3A_169 : memref<1x80x128xf32, #tpu.memory_space<vmem>> -> memref<80x128xf32, #tpu.memory_space<vmem>>
        tpu.enqueue_dma source(%dma_start3A_170 : memref<80x128xf32, #tpu.memory_space<vmem>>) target(%dma_start3A_166 : memref<80x128xf32, #tpu.memory_space<vmem_shared>>) target_semaphore(%run_scoped3A_158 : memref<!tpu.dma_semaphore, #tpu.memory_space<semaphore_mem>>)
        %dma_wait3A_171 = arith.constant 0 : i32
        %dma_wait3A_172 = arith.constant 0 : i32
        %dma_wait3A_173 = tpu.memref_slice %arg7[%run_scoped3A_157, %dma_wait3A_171, %dma_wait3A_172] : memref<3x80x128xf32, #tpu.memory_space<vmem>> -> memref<1x80x128xf32, #tpu.memory_space<vmem>>
        %dma_wait3A_174 = tpu.memref_squeeze %dma_wait3A_173 : memref<1x80x128xf32, #tpu.memory_space<vmem>> -> memref<80x128xf32, #tpu.memory_space<vmem>>
        %dma_wait3A_175 = arith.constant 0 : i32
        %dma_wait3A_176 = tpu.memref_slice %arg8[%mul3A_156, %dma_wait3A_175] : memref<10000x128xf32, #tpu.memory_space<vmem_shared>> -> memref<80x128xf32, #tpu.memory_space<vmem_shared>>
        %dma_wait3A_177 = arith.constant 0 : i32
        %dma_wait3A_178 = tpu.memref_slice %arg8[%mul3A_156, %dma_wait3A_177] : memref<10000x128xf32, #tpu.memory_space<vmem_shared>> -> memref<80x128xf32, #tpu.memory_space<vmem_shared>>
        %dma_wait3A_179 = arith.constant 0 : i32
        %dma_wait3A_180 = arith.constant 0 : i32
        %dma_wait3A_181 = tpu.memref_slice %arg7[%run_scoped3A_157, %dma_wait3A_179, %dma_wait3A_180] : memref<3x80x128xf32, #tpu.memory_space<vmem>> -> memref<1x80x128xf32, #tpu.memory_space<vmem>>
        %dma_wait3A_182 = tpu.memref_squeeze %dma_wait3A_181 : memref<1x80x128xf32, #tpu.memory_space<vmem>> -> memref<80x128xf32, #tpu.memory_space<vmem>>
        tpu.wait_dma2 semaphore(%run_scoped3A_158 : memref<!tpu.dma_semaphore, #tpu.memory_space<semaphore_mem>>) src(%dma_wait3A_182 : memref<80x128xf32, #tpu.memory_space<vmem>>) dst(%dma_wait3A_178 : memref<80x128xf32, #tpu.memory_space<vmem_shared>>)
        tpu.yield
      }) : () -> ()
    }
    %while3A_24 = arith.constant 1 : i32
    scf.for %while3A_152 = %while3A_22 to %while3A_18 step %while3A_24  : i32 {
      %mul3A_153 = arith.muli %while3A_152, %while3A : i32
      %add3A_154 = arith.addi %arg1, %mul3A_153 : i32
      %mul3A_155 = arith.constant 80 : i32
      %mul3A_156 = arith.muli %add3A_154, %mul3A_155 : i32
      %run_scoped3A_157 = arith.constant 0 : i32
      "tpu.region"() ({
        %run_scoped3A_158 = tpu.sem_alloc : memref<!tpu.dma_semaphore, #tpu.memory_space<semaphore_mem>>
        %dma_start3A_159 = arith.constant 0 : i32
        %dma_start3A_160 = arith.constant 0 : i32
        %dma_start3A_161 = tpu.memref_slice %arg7[%run_scoped3A_157, %dma_start3A_159, %dma_start3A_160] : memref<3x80x128xf32, #tpu.memory_space<vmem>> -> memref<1x80x128xf32, #tpu.memory_space<vmem>>
        %dma_start3A_162 = tpu.memref_squeeze %dma_start3A_161 : memref<1x80x128xf32, #tpu.memory_space<vmem>> -> memref<80x128xf32, #tpu.memory_space<vmem>>
        %dma_start3A_163 = arith.constant 0 : i32
        %dma_start3A_164 = tpu.memref_slice %arg8[%mul3A_156, %dma_start3A_163] : memref<10000x128xf32, #tpu.memory_space<vmem_shared>> -> memref<80x128xf32, #tpu.memory_space<vmem_shared>>
        %dma_start3A_165 = arith.constant 0 : i32
        %dma_start3A_166 = tpu.memref_slice %arg8[%mul3A_156, %dma_start3A_165] : memref<10000x128xf32, #tpu.memory_space<vmem_shared>> -> memref<80x128xf32, #tpu.memory_space<vmem_shared>>
        %dma_start3A_167 = arith.constant 0 : i32
        %dma_start3A_168 = arith.constant 0 : i32
        %dma_start3A_169 = tpu.memref_slice %arg7[%run_scoped3A_157, %dma_start3A_167, %dma_start3A_168] : memref<3x80x128xf32, #tpu.memory_space<vmem>> -> memref<1x80x128xf32, #tpu.memory_space<vmem>>
        %dma_start3A_170 = tpu.memref_squeeze %dma_start3A_169 : memref<1x80x128xf32, #tpu.memory_space<vmem>> -> memref<80x128xf32, #tpu.memory_space<vmem>>
        tpu.enqueue_dma source(%dma_start3A_170 : memref<80x128xf32, #tpu.memory_space<vmem>>) target(%dma_start3A_166 : memref<80x128xf32, #tpu.memory_space<vmem_shared>>) target_semaphore(%run_scoped3A_158 : memref<!tpu.dma_semaphore, #tpu.memory_space<semaphore_mem>>)
        %dma_wait3A_171 = arith.constant 0 : i32
        %dma_wait3A_172 = arith.constant 0 : i32
        %dma_wait3A_173 = tpu.memref_slice %arg7[%run_scoped3A_157, %dma_wait3A_171, %dma_wait3A_172] : memref<3x80x128xf32, #tpu.memory_space<vmem>> -> memref<1x80x128xf32, #tpu.memory_space<vmem>>
        %dma_wait3A_174 = tpu.memref_squeeze %dma_wait3A_173 : memref<1x80x128xf32, #tpu.memory_space<vmem>> -> memref<80x128xf32, #tpu.memory_space<vmem>>
        %dma_wait3A_175 = arith.constant 0 : i32
        %dma_wait3A_176 = tpu.memref_slice %arg8[%mul3A_156, %dma_wait3A_175] : memref<10000x128xf32, #tpu.memory_space<vmem_shared>> -> memref<80x128xf32, #tpu.memory_space<vmem_shared>>
        %dma_wait3A_177 = arith.constant 0 : i32
        %dma_wait3A_178 = tpu.memref_slice %arg8[%mul3A_156, %dma_wait3A_177] : memref<10000x128xf32, #tpu.memory_space<vmem_shared>> -> memref<80x128xf32, #tpu.memory_space<vmem_shared>>
        %dma_wait3A_179 = arith.constant 0 : i32
        %dma_wait3A_180 = arith.constant 0 : i32
        %dma_wait3A_181 = tpu.memref_slice %arg7[%run_scoped3A_157, %dma_wait3A_179, %dma_wait3A_180] : memref<3x80x128xf32, #tpu.memory_space<vmem>> -> memref<1x80x128xf32, #tpu.memory_space<vmem>>
        %dma_wait3A_182 = tpu.memref_squeeze %dma_wait3A_181 : memref<1x80x128xf32, #tpu.memory_space<vmem>> -> memref<80x128xf32, #tpu.memory_space<vmem>>
        tpu.wait_dma2 semaphore(%run_scoped3A_158 : memref<!tpu.dma_semaphore, #tpu.memory_space<semaphore_mem>>) src(%dma_wait3A_182 : memref<80x128xf32, #tpu.memory_space<vmem>>) dst(%dma_wait3A_178 : memref<80x128xf32, #tpu.memory_space<vmem_shared>>)
        tpu.yield
      }) : () -> ()
    }
    %barrier3A = arith.constant 0 : index
    tpu.barrier barrier_id(%barrier3A)
    %dma_start3A = arith.constant 0 : i32
    %dma_start3A_25 = arith.constant 0 : i32
    %dma_start3A_26 = arith.constant 0 : i32
    %dma_start3A_27 = tpu.memref_slice %arg7[%dma_start3A, %dma_start3A_25, %dma_start3A_26] : memref<3x80x128xf32, #tpu.memory_space<vmem>> -> memref<1x80x128xf32, #tpu.memory_space<vmem>>
    %dma_start3A_28 = tpu.memref_squeeze %dma_start3A_27 : memref<1x80x128xf32, #tpu.memory_space<vmem>> -> memref<80x128xf32, #tpu.memory_space<vmem>>
    %dma_start3A_29 = arith.constant 0 : i32
    %dma_start3A_30 = tpu.memref_slice %arg5[%dma_start3A_29] : memref<10000xi32, #tpu.memory_space<vmem>> -> memref<80xi32, #tpu.memory_space<vmem>>
    %dma_start3A_31 = arith.constant 0 : i32
    %dma_start3A_32 = arith.constant 0 : i32
    %dma_start3A_33 = tpu.memref_slice %arg2[%dma_start3A_31, %dma_start3A_32] : memref<10000x128xf32, #tpu.memory_space<hbm>> -> memref<10000x128xf32, #tpu.memory_space<hbm>>
    tpu.enqueue_indirect_dma source(%dma_start3A_33 : memref<10000x128xf32, #tpu.memory_space<hbm>>) target(%dma_start3A_28 : memref<80x128xf32, #tpu.memory_space<vmem>>) offsets(%dma_start3A_30 : memref<80xi32, #tpu.memory_space<vmem>>) semaphore(%arg9 : memref<!tpu.dma_semaphore, #tpu.memory_space<semaphore_mem>>)
    %dma_start3A_34 = arith.constant 1 : i32
    %dma_start3A_35 = arith.constant 0 : i32
    %dma_start3A_36 = arith.constant 0 : i32
    %dma_start3A_37 = tpu.memref_slice %arg7[%dma_start3A_34, %dma_start3A_35, %dma_start3A_36] : memref<3x80x128xf32, #tpu.memory_space<vmem>> -> memref<1x80x128xf32, #tpu.memory_space<vmem>>
    %dma_start3A_38 = tpu.memref_squeeze %dma_start3A_37 : memref<1x80x128xf32, #tpu.memory_space<vmem>> -> memref<80x128xf32, #tpu.memory_space<vmem>>
    %dma_start3A_39 = arith.constant 80 : i32
    %dma_start3A_40 = tpu.memref_slice %arg5[%dma_start3A_39] : memref<10000xi32, #tpu.memory_space<vmem>> -> memref<80xi32, #tpu.memory_space<vmem>>
    %dma_start3A_41 = arith.constant 0 : i32
    %dma_start3A_42 = arith.constant 0 : i32
    %dma_start3A_43 = tpu.memref_slice %arg2[%dma_start3A_41, %dma_start3A_42] : memref<10000x128xf32, #tpu.memory_space<hbm>> -> memref<10000x128xf32, #tpu.memory_space<hbm>>
    tpu.enqueue_indirect_dma source(%dma_start3A_43 : memref<10000x128xf32, #tpu.memory_space<hbm>>) target(%dma_start3A_38 : memref<80x128xf32, #tpu.memory_space<vmem>>) offsets(%dma_start3A_40 : memref<80xi32, #tpu.memory_space<vmem>>) semaphore(%arg10 : memref<!tpu.dma_semaphore, #tpu.memory_space<semaphore_mem>>)
    %dma_start3A_44 = arith.constant 2 : i32
    %dma_start3A_45 = arith.constant 0 : i32
    %dma_start3A_46 = arith.constant 0 : i32
    %dma_start3A_47 = tpu.memref_slice %arg7[%dma_start3A_44, %dma_start3A_45, %dma_start3A_46] : memref<3x80x128xf32, #tpu.memory_space<vmem>> -> memref<1x80x128xf32, #tpu.memory_space<vmem>>
    %dma_start3A_48 = tpu.memref_squeeze %dma_start3A_47 : memref<1x80x128xf32, #tpu.memory_space<vmem>> -> memref<80x128xf32, #tpu.memory_space<vmem>>
    %dma_start3A_49 = arith.constant 160 : i32
    %dma_start3A_50 = tpu.memref_slice %arg5[%dma_start3A_49] : memref<10000xi32, #tpu.memory_space<vmem>> -> memref<80xi32, #tpu.memory_space<vmem>>
    %dma_start3A_51 = arith.constant 0 : i32
    %dma_start3A_52 = arith.constant 0 : i32
    %dma_start3A_53 = tpu.memref_slice %arg2[%dma_start3A_51, %dma_start3A_52] : memref<10000x128xf32, #tpu.memory_space<hbm>> -> memref<10000x128xf32, #tpu.memory_space<hbm>>
    tpu.enqueue_indirect_dma source(%dma_start3A_53 : memref<10000x128xf32, #tpu.memory_space<hbm>>) target(%dma_start3A_48 : memref<80x128xf32, #tpu.memory_space<vmem>>) offsets(%dma_start3A_50 : memref<80xi32, #tpu.memory_space<vmem>>) semaphore(%arg11 : memref<!tpu.dma_semaphore, #tpu.memory_space<semaphore_mem>>)
    %scan3A_54 = arith.constant 0 : i32
    %scan3A_55 = arith.constant 40 : i32
    %scan3A_56 = arith.addi %scan3A_54, %scan3A_55 : i32
    %scan3A_57 = arith.constant 1 : i32
    scf.for %scan3A_152 = %scan3A_54 to %scan3A_56 step %scan3A_57  : i32 {
      %mul3A_153 = arith.constant 1 : i32
      %mul3A_154 = arith.muli %scan3A_152, %mul3A_153 : i32
      %add3A_155 = arith.constant 0 : i32
      %add3A_156 = arith.addi %add3A_155, %mul3A_154 : i32
      %mul3A_157 = arith.constant 3 : i32
      %mul3A_158 = arith.muli %mul3A_157, %add3A_156 : i32
      %add3A_159 = arith.constant 0 : i32
      %add3A_160 = arith.addi %mul3A_158, %add3A_159 : i32
      %mul3A_161 = arith.constant 80 : i32
      %mul3A_162 = arith.muli %add3A_160, %mul3A_161 : i32
      %dma_wait3A_163 = arith.constant 0 : i32
      %dma_wait3A_164 = arith.constant 0 : i32
      %dma_wait3A_165 = arith.constant 0 : i32
      %dma_wait3A_166 = tpu.memref_slice %arg7[%dma_wait3A_163, %dma_wait3A_164, %dma_wait3A_165] : memref<3x80x128xf32, #tpu.memory_space<vmem>> -> memref<1x80x128xf32, #tpu.memory_space<vmem>>
      %dma_wait3A_167 = tpu.memref_squeeze %dma_wait3A_166 : memref<1x80x128xf32, #tpu.memory_space<vmem>> -> memref<80x128xf32, #tpu.memory_space<vmem>>
      %dma_wait3A_168 = tpu.memref_slice %arg5[%mul3A_162] : memref<10000xi32, #tpu.memory_space<vmem>> -> memref<80xi32, #tpu.memory_space<vmem>>
      %dma_wait3A_169 = arith.constant 0 : i32
      %dma_wait3A_170 = arith.constant 0 : i32
      %dma_wait3A_171 = tpu.memref_slice %arg2[%dma_wait3A_169, %dma_wait3A_170] : memref<10000x128xf32, #tpu.memory_space<hbm>> -> memref<10000x128xf32, #tpu.memory_space<hbm>>
      tpu.wait_indirect_dma semaphore(%arg9 : memref<!tpu.dma_semaphore, #tpu.memory_space<semaphore_mem>>) src(%dma_wait3A_171 : memref<10000x128xf32, #tpu.memory_space<hbm>>) dst(%dma_wait3A_167 : memref<80x128xf32, #tpu.memory_space<vmem>>)
      %mul3A_172 = arith.constant 80 : i32
      %mul3A_173 = arith.muli %add3A_160, %mul3A_172 : i32
      %run_scoped3A_174 = arith.constant 0 : i32
      "tpu.region"() ({
        %run_scoped3A_250 = tpu.sem_alloc : memref<!tpu.dma_semaphore, #tpu.memory_space<semaphore_mem>>
        %dma_start3A_251 = arith.constant 0 : i32
        %dma_start3A_252 = arith.constant 0 : i32
        %dma_start3A_253 = tpu.memref_slice %arg7[%run_scoped3A_174, %dma_start3A_251, %dma_start3A_252] : memref<3x80x128xf32, #tpu.memory_space<vmem>> -> memref<1x80x128xf32, #tpu.memory_space<vmem>>
        %dma_start3A_254 = tpu.memref_squeeze %dma_start3A_253 : memref<1x80x128xf32, #tpu.memory_space<vmem>> -> memref<80x128xf32, #tpu.memory_space<vmem>>
        %dma_start3A_255 = tpu.memref_slice %arg6[%mul3A_173] : memref<10000xi32, #tpu.memory_space<vmem>> -> memref<80xi32, #tpu.memory_space<vmem>>
        %dma_start3A_256 = arith.constant 0 : i32
        %dma_start3A_257 = arith.constant 0 : i32
        %dma_start3A_258 = tpu.memref_slice %arg8[%dma_start3A_256, %dma_start3A_257] : memref<10000x128xf32, #tpu.memory_space<vmem_shared>> -> memref<10000x128xf32, #tpu.memory_space<vmem_shared>>
        tpu.enqueue_indirect_dma source(%dma_start3A_254 : memref<80x128xf32, #tpu.memory_space<vmem>>) target(%dma_start3A_258 : memref<10000x128xf32, #tpu.memory_space<vmem_shared>>) offsets(%dma_start3A_255 : memref<80xi32, #tpu.memory_space<vmem>>) semaphore(%run_scoped3A_250 : memref<!tpu.dma_semaphore, #tpu.memory_space<semaphore_mem>>) {add = true}
        %dma_wait3A_259 = arith.constant 0 : i32
        %dma_wait3A_260 = arith.constant 0 : i32
        %dma_wait3A_261 = tpu.memref_slice %arg7[%run_scoped3A_174, %dma_wait3A_259, %dma_wait3A_260] : memref<3x80x128xf32, #tpu.memory_space<vmem>> -> memref<1x80x128xf32, #tpu.memory_space<vmem>>
        %dma_wait3A_262 = tpu.memref_squeeze %dma_wait3A_261 : memref<1x80x128xf32, #tpu.memory_space<vmem>> -> memref<80x128xf32, #tpu.memory_space<vmem>>
        %dma_wait3A_263 = tpu.memref_slice %arg6[%mul3A_173] : memref<10000xi32, #tpu.memory_space<vmem>> -> memref<80xi32, #tpu.memory_space<vmem>>
        %dma_wait3A_264 = arith.constant 0 : i32
        %dma_wait3A_265 = arith.constant 0 : i32
        %dma_wait3A_266 = tpu.memref_slice %arg8[%dma_wait3A_264, %dma_wait3A_265] : memref<10000x128xf32, #tpu.memory_space<vmem_shared>> -> memref<10000x128xf32, #tpu.memory_space<vmem_shared>>
        tpu.wait_indirect_dma semaphore(%run_scoped3A_250 : memref<!tpu.dma_semaphore, #tpu.memory_space<semaphore_mem>>) src(%dma_wait3A_262 : memref<80x128xf32, #tpu.memory_space<vmem>>) dst(%dma_wait3A_266 : memref<10000x128xf32, #tpu.memory_space<vmem_shared>>)
        tpu.yield
      }) : () -> ()
      %add3A_175 = arith.constant 3 : i32
      %add3A_176 = arith.addi %add3A_160, %add3A_175 : i32
      %mul3A_177 = arith.constant 80 : i32
      %mul3A_178 = arith.muli %add3A_176, %mul3A_177 : i32
      %dma_start3A_179 = arith.constant 0 : i32
      %dma_start3A_180 = arith.constant 0 : i32
      %dma_start3A_181 = arith.constant 0 : i32
      %dma_start3A_182 = tpu.memref_slice %arg7[%dma_start3A_179, %dma_start3A_180, %dma_start3A_181] : memref<3x80x128xf32, #tpu.memory_space<vmem>> -> memref<1x80x128xf32, #tpu.memory_space<vmem>>
      %dma_start3A_183 = tpu.memref_squeeze %dma_start3A_182 : memref<1x80x128xf32, #tpu.memory_space<vmem>> -> memref<80x128xf32, #tpu.memory_space<vmem>>
      %dma_start3A_184 = tpu.memref_slice %arg5[%mul3A_178] : memref<10000xi32, #tpu.memory_space<vmem>> -> memref<80xi32, #tpu.memory_space<vmem>>
      %dma_start3A_185 = arith.constant 0 : i32
      %dma_start3A_186 = arith.constant 0 : i32
      %dma_start3A_187 = tpu.memref_slice %arg2[%dma_start3A_185, %dma_start3A_186] : memref<10000x128xf32, #tpu.memory_space<hbm>> -> memref<10000x128xf32, #tpu.memory_space<hbm>>
      tpu.enqueue_indirect_dma source(%dma_start3A_187 : memref<10000x128xf32, #tpu.memory_space<hbm>>) target(%dma_start3A_183 : memref<80x128xf32, #tpu.memory_space<vmem>>) offsets(%dma_start3A_184 : memref<80xi32, #tpu.memory_space<vmem>>) semaphore(%arg9 : memref<!tpu.dma_semaphore, #tpu.memory_space<semaphore_mem>>)
      %mul3A_188 = arith.constant 3 : i32
      %mul3A_189 = arith.muli %mul3A_188, %add3A_156 : i32
      %add3A_190 = arith.constant 1 : i32
      %add3A_191 = arith.addi %mul3A_189, %add3A_190 : i32
      %mul3A_192 = arith.constant 80 : i32
      %mul3A_193 = arith.muli %add3A_191, %mul3A_192 : i32
      %dma_wait3A_194 = arith.constant 1 : i32
      %dma_wait3A_195 = arith.constant 0 : i32
      %dma_wait3A_196 = arith.constant 0 : i32
      %dma_wait3A_197 = tpu.memref_slice %arg7[%dma_wait3A_194, %dma_wait3A_195, %dma_wait3A_196] : memref<3x80x128xf32, #tpu.memory_space<vmem>> -> memref<1x80x128xf32, #tpu.memory_space<vmem>>
      %dma_wait3A_198 = tpu.memref_squeeze %dma_wait3A_197 : memref<1x80x128xf32, #tpu.memory_space<vmem>> -> memref<80x128xf32, #tpu.memory_space<vmem>>
      %dma_wait3A_199 = tpu.memref_slice %arg5[%mul3A_193] : memref<10000xi32, #tpu.memory_space<vmem>> -> memref<80xi32, #tpu.memory_space<vmem>>
      %dma_wait3A_200 = arith.constant 0 : i32
      %dma_wait3A_201 = arith.constant 0 : i32
      %dma_wait3A_202 = tpu.memref_slice %arg2[%dma_wait3A_200, %dma_wait3A_201] : memref<10000x128xf32, #tpu.memory_space<hbm>> -> memref<10000x128xf32, #tpu.memory_space<hbm>>
      tpu.wait_indirect_dma semaphore(%arg10 : memref<!tpu.dma_semaphore, #tpu.memory_space<semaphore_mem>>) src(%dma_wait3A_202 : memref<10000x128xf32, #tpu.memory_space<hbm>>) dst(%dma_wait3A_198 : memref<80x128xf32, #tpu.memory_space<vmem>>)
      %mul3A_203 = arith.constant 80 : i32
      %mul3A_204 = arith.muli %add3A_191, %mul3A_203 : i32
      %run_scoped3A_205 = arith.constant 1 : i32
      "tpu.region"() ({
        %run_scoped3A_250 = tpu.sem_alloc : memref<!tpu.dma_semaphore, #tpu.memory_space<semaphore_mem>>
        %dma_start3A_251 = arith.constant 0 : i32
        %dma_start3A_252 = arith.constant 0 : i32
        %dma_start3A_253 = tpu.memref_slice %arg7[%run_scoped3A_205, %dma_start3A_251, %dma_start3A_252] : memref<3x80x128xf32, #tpu.memory_space<vmem>> -> memref<1x80x128xf32, #tpu.memory_space<vmem>>
        %dma_start3A_254 = tpu.memref_squeeze %dma_start3A_253 : memref<1x80x128xf32, #tpu.memory_space<vmem>> -> memref<80x128xf32, #tpu.memory_space<vmem>>
        %dma_start3A_255 = tpu.memref_slice %arg6[%mul3A_204] : memref<10000xi32, #tpu.memory_space<vmem>> -> memref<80xi32, #tpu.memory_space<vmem>>
        %dma_start3A_256 = arith.constant 0 : i32
        %dma_start3A_257 = arith.constant 0 : i32
        %dma_start3A_258 = tpu.memref_slice %arg8[%dma_start3A_256, %dma_start3A_257] : memref<10000x128xf32, #tpu.memory_space<vmem_shared>> -> memref<10000x128xf32, #tpu.memory_space<vmem_shared>>
        tpu.enqueue_indirect_dma source(%dma_start3A_254 : memref<80x128xf32, #tpu.memory_space<vmem>>) target(%dma_start3A_258 : memref<10000x128xf32, #tpu.memory_space<vmem_shared>>) offsets(%dma_start3A_255 : memref<80xi32, #tpu.memory_space<vmem>>) semaphore(%run_scoped3A_250 : memref<!tpu.dma_semaphore, #tpu.memory_space<semaphore_mem>>) {add = true}
        %dma_wait3A_259 = arith.constant 0 : i32
        %dma_wait3A_260 = arith.constant 0 : i32
        %dma_wait3A_261 = tpu.memref_slice %arg7[%run_scoped3A_205, %dma_wait3A_259, %dma_wait3A_260] : memref<3x80x128xf32, #tpu.memory_space<vmem>> -> memref<1x80x128xf32, #tpu.memory_space<vmem>>
        %dma_wait3A_262 = tpu.memref_squeeze %dma_wait3A_261 : memref<1x80x128xf32, #tpu.memory_space<vmem>> -> memref<80x128xf32, #tpu.memory_space<vmem>>
        %dma_wait3A_263 = tpu.memref_slice %arg6[%mul3A_204] : memref<10000xi32, #tpu.memory_space<vmem>> -> memref<80xi32, #tpu.memory_space<vmem>>
        %dma_wait3A_264 = arith.constant 0 : i32
        %dma_wait3A_265 = arith.constant 0 : i32
        %dma_wait3A_266 = tpu.memref_slice %arg8[%dma_wait3A_264, %dma_wait3A_265] : memref<10000x128xf32, #tpu.memory_space<vmem_shared>> -> memref<10000x128xf32, #tpu.memory_space<vmem_shared>>
        tpu.wait_indirect_dma semaphore(%run_scoped3A_250 : memref<!tpu.dma_semaphore, #tpu.memory_space<semaphore_mem>>) src(%dma_wait3A_262 : memref<80x128xf32, #tpu.memory_space<vmem>>) dst(%dma_wait3A_266 : memref<10000x128xf32, #tpu.memory_space<vmem_shared>>)
        tpu.yield
      }) : () -> ()
      %add3A_206 = arith.constant 3 : i32
      %add3A_207 = arith.addi %add3A_191, %add3A_206 : i32
      %mul3A_208 = arith.constant 80 : i32
      %mul3A_209 = arith.muli %add3A_207, %mul3A_208 : i32
      %dma_start3A_210 = arith.constant 1 : i32
      %dma_start3A_211 = arith.constant 0 : i32
      %dma_start3A_212 = arith.constant 0 : i32
      %dma_start3A_213 = tpu.memref_slice %arg7[%dma_start3A_210, %dma_start3A_211, %dma_start3A_212] : memref<3x80x128xf32, #tpu.memory_space<vmem>> -> memref<1x80x128xf32, #tpu.memory_space<vmem>>
      %dma_start3A_214 = tpu.memref_squeeze %dma_start3A_213 : memref<1x80x128xf32, #tpu.memory_space<vmem>> -> memref<80x128xf32, #tpu.memory_space<vmem>>
      %dma_start3A_215 = tpu.memref_slice %arg5[%mul3A_209] : memref<10000xi32, #tpu.memory_space<vmem>> -> memref<80xi32, #tpu.memory_space<vmem>>
      %dma_start3A_216 = arith.constant 0 : i32
      %dma_start3A_217 = arith.constant 0 : i32
      %dma_start3A_218 = tpu.memref_slice %arg2[%dma_start3A_216, %dma_start3A_217] : memref<10000x128xf32, #tpu.memory_space<hbm>> -> memref<10000x128xf32, #tpu.memory_space<hbm>>
      tpu.enqueue_indirect_dma source(%dma_start3A_218 : memref<10000x128xf32, #tpu.memory_space<hbm>>) target(%dma_start3A_214 : memref<80x128xf32, #tpu.memory_space<vmem>>) offsets(%dma_start3A_215 : memref<80xi32, #tpu.memory_space<vmem>>) semaphore(%arg10 : memref<!tpu.dma_semaphore, #tpu.memory_space<semaphore_mem>>)
      %mul3A_219 = arith.constant 3 : i32
      %mul3A_220 = arith.muli %mul3A_219, %add3A_156 : i32
      %add3A_221 = arith.constant 2 : i32
      %add3A_222 = arith.addi %mul3A_220, %add3A_221 : i32
      %mul3A_223 = arith.constant 80 : i32
      %mul3A_224 = arith.muli %add3A_222, %mul3A_223 : i32
      %dma_wait3A_225 = arith.constant 2 : i32
      %dma_wait3A_226 = arith.constant 0 : i32
      %dma_wait3A_227 = arith.constant 0 : i32
      %dma_wait3A_228 = tpu.memref_slice %arg7[%dma_wait3A_225, %dma_wait3A_226, %dma_wait3A_227] : memref<3x80x128xf32, #tpu.memory_space<vmem>> -> memref<1x80x128xf32, #tpu.memory_space<vmem>>
      %dma_wait3A_229 = tpu.memref_squeeze %dma_wait3A_228 : memref<1x80x128xf32, #tpu.memory_space<vmem>> -> memref<80x128xf32, #tpu.memory_space<vmem>>
      %dma_wait3A_230 = tpu.memref_slice %arg5[%mul3A_224] : memref<10000xi32, #tpu.memory_space<vmem>> -> memref<80xi32, #tpu.memory_space<vmem>>
      %dma_wait3A_231 = arith.constant 0 : i32
      %dma_wait3A_232 = arith.constant 0 : i32
      %dma_wait3A_233 = tpu.memref_slice %arg2[%dma_wait3A_231, %dma_wait3A_232] : memref<10000x128xf32, #tpu.memory_space<hbm>> -> memref<10000x128xf32, #tpu.memory_space<hbm>>
      tpu.wait_indirect_dma semaphore(%arg11 : memref<!tpu.dma_semaphore, #tpu.memory_space<semaphore_mem>>) src(%dma_wait3A_233 : memref<10000x128xf32, #tpu.memory_space<hbm>>) dst(%dma_wait3A_229 : memref<80x128xf32, #tpu.memory_space<vmem>>)
      %mul3A_234 = arith.constant 80 : i32
      %mul3A_235 = arith.muli %add3A_222, %mul3A_234 : i32
      %run_scoped3A_236 = arith.constant 2 : i32
      "tpu.region"() ({
        %run_scoped3A_250 = tpu.sem_alloc : memref<!tpu.dma_semaphore, #tpu.memory_space<semaphore_mem>>
        %dma_start3A_251 = arith.constant 0 : i32
        %dma_start3A_252 = arith.constant 0 : i32
        %dma_start3A_253 = tpu.memref_slice %arg7[%run_scoped3A_236, %dma_start3A_251, %dma_start3A_252] : memref<3x80x128xf32, #tpu.memory_space<vmem>> -> memref<1x80x128xf32, #tpu.memory_space<vmem>>
        %dma_start3A_254 = tpu.memref_squeeze %dma_start3A_253 : memref<1x80x128xf32, #tpu.memory_space<vmem>> -> memref<80x128xf32, #tpu.memory_space<vmem>>
        %dma_start3A_255 = tpu.memref_slice %arg6[%mul3A_235] : memref<10000xi32, #tpu.memory_space<vmem>> -> memref<80xi32, #tpu.memory_space<vmem>>
        %dma_start3A_256 = arith.constant 0 : i32
        %dma_start3A_257 = arith.constant 0 : i32
        %dma_start3A_258 = tpu.memref_slice %arg8[%dma_start3A_256, %dma_start3A_257] : memref<10000x128xf32, #tpu.memory_space<vmem_shared>> -> memref<10000x128xf32, #tpu.memory_space<vmem_shared>>
        tpu.enqueue_indirect_dma source(%dma_start3A_254 : memref<80x128xf32, #tpu.memory_space<vmem>>) target(%dma_start3A_258 : memref<10000x128xf32, #tpu.memory_space<vmem_shared>>) offsets(%dma_start3A_255 : memref<80xi32, #tpu.memory_space<vmem>>) semaphore(%run_scoped3A_250 : memref<!tpu.dma_semaphore, #tpu.memory_space<semaphore_mem>>) {add = true}
        %dma_wait3A_259 = arith.constant 0 : i32
        %dma_wait3A_260 = arith.constant 0 : i32
        %dma_wait3A_261 = tpu.memref_slice %arg7[%run_scoped3A_236, %dma_wait3A_259, %dma_wait3A_260] : memref<3x80x128xf32, #tpu.memory_space<vmem>> -> memref<1x80x128xf32, #tpu.memory_space<vmem>>
        %dma_wait3A_262 = tpu.memref_squeeze %dma_wait3A_261 : memref<1x80x128xf32, #tpu.memory_space<vmem>> -> memref<80x128xf32, #tpu.memory_space<vmem>>
        %dma_wait3A_263 = tpu.memref_slice %arg6[%mul3A_235] : memref<10000xi32, #tpu.memory_space<vmem>> -> memref<80xi32, #tpu.memory_space<vmem>>
        %dma_wait3A_264 = arith.constant 0 : i32
        %dma_wait3A_265 = arith.constant 0 : i32
        %dma_wait3A_266 = tpu.memref_slice %arg8[%dma_wait3A_264, %dma_wait3A_265] : memref<10000x128xf32, #tpu.memory_space<vmem_shared>> -> memref<10000x128xf32, #tpu.memory_space<vmem_shared>>
        tpu.wait_indirect_dma semaphore(%run_scoped3A_250 : memref<!tpu.dma_semaphore, #tpu.memory_space<semaphore_mem>>) src(%dma_wait3A_262 : memref<80x128xf32, #tpu.memory_space<vmem>>) dst(%dma_wait3A_266 : memref<10000x128xf32, #tpu.memory_space<vmem_shared>>)
        tpu.yield
      }) : () -> ()
      %add3A_237 = arith.constant 3 : i32
      %add3A_238 = arith.addi %add3A_222, %add3A_237 : i32
      %mul3A_239 = arith.constant 80 : i32
      %mul3A_240 = arith.muli %add3A_238, %mul3A_239 : i32
      %dma_start3A_241 = arith.constant 2 : i32
      %dma_start3A_242 = arith.constant 0 : i32
      %dma_start3A_243 = arith.constant 0 : i32
      %dma_start3A_244 = tpu.memref_slice %arg7[%dma_start3A_241, %dma_start3A_242, %dma_start3A_243] : memref<3x80x128xf32, #tpu.memory_space<vmem>> -> memref<1x80x128xf32, #tpu.memory_space<vmem>>
      %dma_start3A_245 = tpu.memref_squeeze %dma_start3A_244 : memref<1x80x128xf32, #tpu.memory_space<vmem>> -> memref<80x128xf32, #tpu.memory_space<vmem>>
      %dma_start3A_246 = tpu.memref_slice %arg5[%mul3A_240] : memref<10000xi32, #tpu.memory_space<vmem>> -> memref<80xi32, #tpu.memory_space<vmem>>
      %dma_start3A_247 = arith.constant 0 : i32
      %dma_start3A_248 = arith.constant 0 : i32
      %dma_start3A_249 = tpu.memref_slice %arg2[%dma_start3A_247, %dma_start3A_248] : memref<10000x128xf32, #tpu.memory_space<hbm>> -> memref<10000x128xf32, #tpu.memory_space<hbm>>
      tpu.enqueue_indirect_dma source(%dma_start3A_249 : memref<10000x128xf32, #tpu.memory_space<hbm>>) target(%dma_start3A_245 : memref<80x128xf32, #tpu.memory_space<vmem>>) offsets(%dma_start3A_246 : memref<80xi32, #tpu.memory_space<vmem>>) semaphore(%arg11 : memref<!tpu.dma_semaphore, #tpu.memory_space<semaphore_mem>>)
    }
    %scan3A_58 = arith.constant 40 : i32
    %dma_wait3A = arith.constant 0 : i32
    %dma_wait3A_59 = arith.constant 0 : i32
    %dma_wait3A_60 = arith.constant 0 : i32
    %dma_wait3A_61 = tpu.memref_slice %arg7[%dma_wait3A, %dma_wait3A_59, %dma_wait3A_60] : memref<3x80x128xf32, #tpu.memory_space<vmem>> -> memref<1x80x128xf32, #tpu.memory_space<vmem>>
    %dma_wait3A_62 = tpu.memref_squeeze %dma_wait3A_61 : memref<1x80x128xf32, #tpu.memory_space<vmem>> -> memref<80x128xf32, #tpu.memory_space<vmem>>
    %dma_wait3A_63 = arith.constant 9600 : i32
    %dma_wait3A_64 = tpu.memref_slice %arg5[%dma_wait3A_63] : memref<10000xi32, #tpu.memory_space<vmem>> -> memref<80xi32, #tpu.memory_space<vmem>>
    %dma_wait3A_65 = arith.constant 0 : i32
    %dma_wait3A_66 = arith.constant 0 : i32
    %dma_wait3A_67 = tpu.memref_slice %arg2[%dma_wait3A_65, %dma_wait3A_66] : memref<10000x128xf32, #tpu.memory_space<hbm>> -> memref<10000x128xf32, #tpu.memory_space<hbm>>
    tpu.wait_indirect_dma semaphore(%arg9 : memref<!tpu.dma_semaphore, #tpu.memory_space<semaphore_mem>>) src(%dma_wait3A_67 : memref<10000x128xf32, #tpu.memory_space<hbm>>) dst(%dma_wait3A_62 : memref<80x128xf32, #tpu.memory_space<vmem>>)
    %run_scoped3A_68 = arith.constant 0 : i32
    "tpu.region"() ({
      %run_scoped3A_152 = tpu.sem_alloc : memref<!tpu.dma_semaphore, #tpu.memory_space<semaphore_mem>>
      %dma_start3A_153 = arith.constant 0 : i32
      %dma_start3A_154 = arith.constant 0 : i32
      %dma_start3A_155 = tpu.memref_slice %arg7[%run_scoped3A_68, %dma_start3A_153, %dma_start3A_154] : memref<3x80x128xf32, #tpu.memory_space<vmem>> -> memref<1x80x128xf32, #tpu.memory_space<vmem>>
      %dma_start3A_156 = tpu.memref_squeeze %dma_start3A_155 : memref<1x80x128xf32, #tpu.memory_space<vmem>> -> memref<80x128xf32, #tpu.memory_space<vmem>>
      %dma_start3A_157 = arith.constant 9600 : i32
      %dma_start3A_158 = tpu.memref_slice %arg6[%dma_start3A_157] : memref<10000xi32, #tpu.memory_space<vmem>> -> memref<80xi32, #tpu.memory_space<vmem>>
      %dma_start3A_159 = arith.constant 0 : i32
      %dma_start3A_160 = arith.constant 0 : i32
      %dma_start3A_161 = tpu.memref_slice %arg8[%dma_start3A_159, %dma_start3A_160] : memref<10000x128xf32, #tpu.memory_space<vmem_shared>> -> memref<10000x128xf32, #tpu.memory_space<vmem_shared>>
      tpu.enqueue_indirect_dma source(%dma_start3A_156 : memref<80x128xf32, #tpu.memory_space<vmem>>) target(%dma_start3A_161 : memref<10000x128xf32, #tpu.memory_space<vmem_shared>>) offsets(%dma_start3A_158 : memref<80xi32, #tpu.memory_space<vmem>>) semaphore(%run_scoped3A_152 : memref<!tpu.dma_semaphore, #tpu.memory_space<semaphore_mem>>) {add = true}
      %dma_wait3A_162 = arith.constant 0 : i32
      %dma_wait3A_163 = arith.constant 0 : i32
      %dma_wait3A_164 = tpu.memref_slice %arg7[%run_scoped3A_68, %dma_wait3A_162, %dma_wait3A_163] : memref<3x80x128xf32, #tpu.memory_space<vmem>> -> memref<1x80x128xf32, #tpu.memory_space<vmem>>
      %dma_wait3A_165 = tpu.memref_squeeze %dma_wait3A_164 : memref<1x80x128xf32, #tpu.memory_space<vmem>> -> memref<80x128xf32, #tpu.memory_space<vmem>>
      %dma_wait3A_166 = arith.constant 9600 : i32
      %dma_wait3A_167 = tpu.memref_slice %arg6[%dma_wait3A_166] : memref<10000xi32, #tpu.memory_space<vmem>> -> memref<80xi32, #tpu.memory_space<vmem>>
      %dma_wait3A_168 = arith.constant 0 : i32
      %dma_wait3A_169 = arith.constant 0 : i32
      %dma_wait3A_170 = tpu.memref_slice %arg8[%dma_wait3A_168, %dma_wait3A_169] : memref<10000x128xf32, #tpu.memory_space<vmem_shared>> -> memref<10000x128xf32, #tpu.memory_space<vmem_shared>>
      tpu.wait_indirect_dma semaphore(%run_scoped3A_152 : memref<!tpu.dma_semaphore, #tpu.memory_space<semaphore_mem>>) src(%dma_wait3A_165 : memref<80x128xf32, #tpu.memory_space<vmem>>) dst(%dma_wait3A_170 : memref<10000x128xf32, #tpu.memory_space<vmem_shared>>)
      tpu.yield
    }) : () -> ()
    %dma_start3A_69 = arith.constant 0 : i32
    %dma_start3A_70 = arith.constant 0 : i32
    %dma_start3A_71 = arith.constant 0 : i32
    %dma_start3A_72 = tpu.memref_slice %arg7[%dma_start3A_69, %dma_start3A_70, %dma_start3A_71] : memref<3x80x128xf32, #tpu.memory_space<vmem>> -> memref<1x80x128xf32, #tpu.memory_space<vmem>>
    %dma_start3A_73 = tpu.memref_squeeze %dma_start3A_72 : memref<1x80x128xf32, #tpu.memory_space<vmem>> -> memref<80x128xf32, #tpu.memory_space<vmem>>
    %dma_start3A_74 = arith.constant 9840 : i32
    %dma_start3A_75 = tpu.memref_slice %arg5[%dma_start3A_74] : memref<10000xi32, #tpu.memory_space<vmem>> -> memref<80xi32, #tpu.memory_space<vmem>>
    %dma_start3A_76 = arith.constant 0 : i32
    %dma_start3A_77 = arith.constant 0 : i32
    %dma_start3A_78 = tpu.memref_slice %arg2[%dma_start3A_76, %dma_start3A_77] : memref<10000x128xf32, #tpu.memory_space<hbm>> -> memref<10000x128xf32, #tpu.memory_space<hbm>>
    tpu.enqueue_indirect_dma source(%dma_start3A_78 : memref<10000x128xf32, #tpu.memory_space<hbm>>) target(%dma_start3A_73 : memref<80x128xf32, #tpu.memory_space<vmem>>) offsets(%dma_start3A_75 : memref<80xi32, #tpu.memory_space<vmem>>) semaphore(%arg9 : memref<!tpu.dma_semaphore, #tpu.memory_space<semaphore_mem>>)
    %dma_wait3A_79 = arith.constant 1 : i32
    %dma_wait3A_80 = arith.constant 0 : i32
    %dma_wait3A_81 = arith.constant 0 : i32
    %dma_wait3A_82 = tpu.memref_slice %arg7[%dma_wait3A_79, %dma_wait3A_80, %dma_wait3A_81] : memref<3x80x128xf32, #tpu.memory_space<vmem>> -> memref<1x80x128xf32, #tpu.memory_space<vmem>>
    %dma_wait3A_83 = tpu.memref_squeeze %dma_wait3A_82 : memref<1x80x128xf32, #tpu.memory_space<vmem>> -> memref<80x128xf32, #tpu.memory_space<vmem>>
    %dma_wait3A_84 = arith.constant 9680 : i32
    %dma_wait3A_85 = tpu.memref_slice %arg5[%dma_wait3A_84] : memref<10000xi32, #tpu.memory_space<vmem>> -> memref<80xi32, #tpu.memory_space<vmem>>
    %dma_wait3A_86 = arith.constant 0 : i32
    %dma_wait3A_87 = arith.constant 0 : i32
    %dma_wait3A_88 = tpu.memref_slice %arg2[%dma_wait3A_86, %dma_wait3A_87] : memref<10000x128xf32, #tpu.memory_space<hbm>> -> memref<10000x128xf32, #tpu.memory_space<hbm>>
    tpu.wait_indirect_dma semaphore(%arg10 : memref<!tpu.dma_semaphore, #tpu.memory_space<semaphore_mem>>) src(%dma_wait3A_88 : memref<10000x128xf32, #tpu.memory_space<hbm>>) dst(%dma_wait3A_83 : memref<80x128xf32, #tpu.memory_space<vmem>>)
    %run_scoped3A_89 = arith.constant 1 : i32
    "tpu.region"() ({
      %run_scoped3A_152 = tpu.sem_alloc : memref<!tpu.dma_semaphore, #tpu.memory_space<semaphore_mem>>
      %dma_start3A_153 = arith.constant 0 : i32
      %dma_start3A_154 = arith.constant 0 : i32
      %dma_start3A_155 = tpu.memref_slice %arg7[%run_scoped3A_89, %dma_start3A_153, %dma_start3A_154] : memref<3x80x128xf32, #tpu.memory_space<vmem>> -> memref<1x80x128xf32, #tpu.memory_space<vmem>>
      %dma_start3A_156 = tpu.memref_squeeze %dma_start3A_155 : memref<1x80x128xf32, #tpu.memory_space<vmem>> -> memref<80x128xf32, #tpu.memory_space<vmem>>
      %dma_start3A_157 = arith.constant 9680 : i32
      %dma_start3A_158 = tpu.memref_slice %arg6[%dma_start3A_157] : memref<10000xi32, #tpu.memory_space<vmem>> -> memref<80xi32, #tpu.memory_space<vmem>>
      %dma_start3A_159 = arith.constant 0 : i32
      %dma_start3A_160 = arith.constant 0 : i32
      %dma_start3A_161 = tpu.memref_slice %arg8[%dma_start3A_159, %dma_start3A_160] : memref<10000x128xf32, #tpu.memory_space<vmem_shared>> -> memref<10000x128xf32, #tpu.memory_space<vmem_shared>>
      tpu.enqueue_indirect_dma source(%dma_start3A_156 : memref<80x128xf32, #tpu.memory_space<vmem>>) target(%dma_start3A_161 : memref<10000x128xf32, #tpu.memory_space<vmem_shared>>) offsets(%dma_start3A_158 : memref<80xi32, #tpu.memory_space<vmem>>) semaphore(%run_scoped3A_152 : memref<!tpu.dma_semaphore, #tpu.memory_space<semaphore_mem>>) {add = true}
      %dma_wait3A_162 = arith.constant 0 : i32
      %dma_wait3A_163 = arith.constant 0 : i32
      %dma_wait3A_164 = tpu.memref_slice %arg7[%run_scoped3A_89, %dma_wait3A_162, %dma_wait3A_163] : memref<3x80x128xf32, #tpu.memory_space<vmem>> -> memref<1x80x128xf32, #tpu.memory_space<vmem>>
      %dma_wait3A_165 = tpu.memref_squeeze %dma_wait3A_164 : memref<1x80x128xf32, #tpu.memory_space<vmem>> -> memref<80x128xf32, #tpu.memory_space<vmem>>
      %dma_wait3A_166 = arith.constant 9680 : i32
      %dma_wait3A_167 = tpu.memref_slice %arg6[%dma_wait3A_166] : memref<10000xi32, #tpu.memory_space<vmem>> -> memref<80xi32, #tpu.memory_space<vmem>>
      %dma_wait3A_168 = arith.constant 0 : i32
      %dma_wait3A_169 = arith.constant 0 : i32
      %dma_wait3A_170 = tpu.memref_slice %arg8[%dma_wait3A_168, %dma_wait3A_169] : memref<10000x128xf32, #tpu.memory_space<vmem_shared>> -> memref<10000x128xf32, #tpu.memory_space<vmem_shared>>
      tpu.wait_indirect_dma semaphore(%run_scoped3A_152 : memref<!tpu.dma_semaphore, #tpu.memory_space<semaphore_mem>>) src(%dma_wait3A_165 : memref<80x128xf32, #tpu.memory_space<vmem>>) dst(%dma_wait3A_170 : memref<10000x128xf32, #tpu.memory_space<vmem_shared>>)
      tpu.yield
    }) : () -> ()
    %dma_start3A_90 = arith.constant 1 : i32
    %dma_start3A_91 = arith.constant 0 : i32
    %dma_start3A_92 = arith.constant 0 : i32
    %dma_start3A_93 = tpu.memref_slice %arg7[%dma_start3A_90, %dma_start3A_91, %dma_start3A_92] : memref<3x80x128xf32, #tpu.memory_space<vmem>> -> memref<1x80x128xf32, #tpu.memory_space<vmem>>
    %dma_start3A_94 = tpu.memref_squeeze %dma_start3A_93 : memref<1x80x128xf32, #tpu.memory_space<vmem>> -> memref<80x128xf32, #tpu.memory_space<vmem>>
    %dma_start3A_95 = arith.constant 9920 : i32
    %dma_start3A_96 = tpu.memref_slice %arg5[%dma_start3A_95] : memref<10000xi32, #tpu.memory_space<vmem>> -> memref<80xi32, #tpu.memory_space<vmem>>
    %dma_start3A_97 = arith.constant 0 : i32
    %dma_start3A_98 = arith.constant 0 : i32
    %dma_start3A_99 = tpu.memref_slice %arg2[%dma_start3A_97, %dma_start3A_98] : memref<10000x128xf32, #tpu.memory_space<hbm>> -> memref<10000x128xf32, #tpu.memory_space<hbm>>
    tpu.enqueue_indirect_dma source(%dma_start3A_99 : memref<10000x128xf32, #tpu.memory_space<hbm>>) target(%dma_start3A_94 : memref<80x128xf32, #tpu.memory_space<vmem>>) offsets(%dma_start3A_96 : memref<80xi32, #tpu.memory_space<vmem>>) semaphore(%arg10 : memref<!tpu.dma_semaphore, #tpu.memory_space<semaphore_mem>>)
    %dma_wait3A_100 = arith.constant 2 : i32
    %dma_wait3A_101 = arith.constant 0 : i32
    %dma_wait3A_102 = arith.constant 0 : i32
    %dma_wait3A_103 = tpu.memref_slice %arg7[%dma_wait3A_100, %dma_wait3A_101, %dma_wait3A_102] : memref<3x80x128xf32, #tpu.memory_space<vmem>> -> memref<1x80x128xf32, #tpu.memory_space<vmem>>
    %dma_wait3A_104 = tpu.memref_squeeze %dma_wait3A_103 : memref<1x80x128xf32, #tpu.memory_space<vmem>> -> memref<80x128xf32, #tpu.memory_space<vmem>>
    %dma_wait3A_105 = arith.constant 9760 : i32
    %dma_wait3A_106 = tpu.memref_slice %arg5[%dma_wait3A_105] : memref<10000xi32, #tpu.memory_space<vmem>> -> memref<80xi32, #tpu.memory_space<vmem>>
    %dma_wait3A_107 = arith.constant 0 : i32
    %dma_wait3A_108 = arith.constant 0 : i32
    %dma_wait3A_109 = tpu.memref_slice %arg2[%dma_wait3A_107, %dma_wait3A_108] : memref<10000x128xf32, #tpu.memory_space<hbm>> -> memref<10000x128xf32, #tpu.memory_space<hbm>>
    tpu.wait_indirect_dma semaphore(%arg11 : memref<!tpu.dma_semaphore, #tpu.memory_space<semaphore_mem>>) src(%dma_wait3A_109 : memref<10000x128xf32, #tpu.memory_space<hbm>>) dst(%dma_wait3A_104 : memref<80x128xf32, #tpu.memory_space<vmem>>)
    %run_scoped3A_110 = arith.constant 2 : i32
    "tpu.region"() ({
      %run_scoped3A_152 = tpu.sem_alloc : memref<!tpu.dma_semaphore, #tpu.memory_space<semaphore_mem>>
      %dma_start3A_153 = arith.constant 0 : i32
      %dma_start3A_154 = arith.constant 0 : i32
      %dma_start3A_155 = tpu.memref_slice %arg7[%run_scoped3A_110, %dma_start3A_153, %dma_start3A_154] : memref<3x80x128xf32, #tpu.memory_space<vmem>> -> memref<1x80x128xf32, #tpu.memory_space<vmem>>
      %dma_start3A_156 = tpu.memref_squeeze %dma_start3A_155 : memref<1x80x128xf32, #tpu.memory_space<vmem>> -> memref<80x128xf32, #tpu.memory_space<vmem>>
      %dma_start3A_157 = arith.constant 9760 : i32
      %dma_start3A_158 = tpu.memref_slice %arg6[%dma_start3A_157] : memref<10000xi32, #tpu.memory_space<vmem>> -> memref<80xi32, #tpu.memory_space<vmem>>
      %dma_start3A_159 = arith.constant 0 : i32
      %dma_start3A_160 = arith.constant 0 : i32
      %dma_start3A_161 = tpu.memref_slice %arg8[%dma_start3A_159, %dma_start3A_160] : memref<10000x128xf32, #tpu.memory_space<vmem_shared>> -> memref<10000x128xf32, #tpu.memory_space<vmem_shared>>
      tpu.enqueue_indirect_dma source(%dma_start3A_156 : memref<80x128xf32, #tpu.memory_space<vmem>>) target(%dma_start3A_161 : memref<10000x128xf32, #tpu.memory_space<vmem_shared>>) offsets(%dma_start3A_158 : memref<80xi32, #tpu.memory_space<vmem>>) semaphore(%run_scoped3A_152 : memref<!tpu.dma_semaphore, #tpu.memory_space<semaphore_mem>>) {add = true}
      %dma_wait3A_162 = arith.constant 0 : i32
      %dma_wait3A_163 = arith.constant 0 : i32
      %dma_wait3A_164 = tpu.memref_slice %arg7[%run_scoped3A_110, %dma_wait3A_162, %dma_wait3A_163] : memref<3x80x128xf32, #tpu.memory_space<vmem>> -> memref<1x80x128xf32, #tpu.memory_space<vmem>>
      %dma_wait3A_165 = tpu.memref_squeeze %dma_wait3A_164 : memref<1x80x128xf32, #tpu.memory_space<vmem>> -> memref<80x128xf32, #tpu.memory_space<vmem>>
      %dma_wait3A_166 = arith.constant 9760 : i32
      %dma_wait3A_167 = tpu.memref_slice %arg6[%dma_wait3A_166] : memref<10000xi32, #tpu.memory_space<vmem>> -> memref<80xi32, #tpu.memory_space<vmem>>
      %dma_wait3A_168 = arith.constant 0 : i32
      %dma_wait3A_169 = arith.constant 0 : i32
      %dma_wait3A_170 = tpu.memref_slice %arg8[%dma_wait3A_168, %dma_wait3A_169] : memref<10000x128xf32, #tpu.memory_space<vmem_shared>> -> memref<10000x128xf32, #tpu.memory_space<vmem_shared>>
      tpu.wait_indirect_dma semaphore(%run_scoped3A_152 : memref<!tpu.dma_semaphore, #tpu.memory_space<semaphore_mem>>) src(%dma_wait3A_165 : memref<80x128xf32, #tpu.memory_space<vmem>>) dst(%dma_wait3A_170 : memref<10000x128xf32, #tpu.memory_space<vmem_shared>>)
      tpu.yield
    }) : () -> ()
    %dma_wait3A_111 = arith.constant 0 : i32
    %dma_wait3A_112 = arith.constant 0 : i32
    %dma_wait3A_113 = arith.constant 0 : i32
    %dma_wait3A_114 = tpu.memref_slice %arg7[%dma_wait3A_111, %dma_wait3A_112, %dma_wait3A_113] : memref<3x80x128xf32, #tpu.memory_space<vmem>> -> memref<1x80x128xf32, #tpu.memory_space<vmem>>
    %dma_wait3A_115 = tpu.memref_squeeze %dma_wait3A_114 : memref<1x80x128xf32, #tpu.memory_space<vmem>> -> memref<80x128xf32, #tpu.memory_space<vmem>>
    %dma_wait3A_116 = arith.constant 9840 : i32
    %dma_wait3A_117 = tpu.memref_slice %arg5[%dma_wait3A_116] : memref<10000xi32, #tpu.memory_space<vmem>> -> memref<80xi32, #tpu.memory_space<vmem>>
    %dma_wait3A_118 = arith.constant 0 : i32
    %dma_wait3A_119 = arith.constant 0 : i32
    %dma_wait3A_120 = tpu.memref_slice %arg2[%dma_wait3A_118, %dma_wait3A_119] : memref<10000x128xf32, #tpu.memory_space<hbm>> -> memref<10000x128xf32, #tpu.memory_space<hbm>>
    tpu.wait_indirect_dma semaphore(%arg9 : memref<!tpu.dma_semaphore, #tpu.memory_space<semaphore_mem>>) src(%dma_wait3A_120 : memref<10000x128xf32, #tpu.memory_space<hbm>>) dst(%dma_wait3A_115 : memref<80x128xf32, #tpu.memory_space<vmem>>)
    %run_scoped3A_121 = arith.constant 0 : i32
    "tpu.region"() ({
      %run_scoped3A_152 = tpu.sem_alloc : memref<!tpu.dma_semaphore, #tpu.memory_space<semaphore_mem>>
      %dma_start3A_153 = arith.constant 0 : i32
      %dma_start3A_154 = arith.constant 0 : i32
      %dma_start3A_155 = tpu.memref_slice %arg7[%run_scoped3A_121, %dma_start3A_153, %dma_start3A_154] : memref<3x80x128xf32, #tpu.memory_space<vmem>> -> memref<1x80x128xf32, #tpu.memory_space<vmem>>
      %dma_start3A_156 = tpu.memref_squeeze %dma_start3A_155 : memref<1x80x128xf32, #tpu.memory_space<vmem>> -> memref<80x128xf32, #tpu.memory_space<vmem>>
      %dma_start3A_157 = arith.constant 9840 : i32
      %dma_start3A_158 = tpu.memref_slice %arg6[%dma_start3A_157] : memref<10000xi32, #tpu.memory_space<vmem>> -> memref<80xi32, #tpu.memory_space<vmem>>
      %dma_start3A_159 = arith.constant 0 : i32
      %dma_start3A_160 = arith.constant 0 : i32
      %dma_start3A_161 = tpu.memref_slice %arg8[%dma_start3A_159, %dma_start3A_160] : memref<10000x128xf32, #tpu.memory_space<vmem_shared>> -> memref<10000x128xf32, #tpu.memory_space<vmem_shared>>
      tpu.enqueue_indirect_dma source(%dma_start3A_156 : memref<80x128xf32, #tpu.memory_space<vmem>>) target(%dma_start3A_161 : memref<10000x128xf32, #tpu.memory_space<vmem_shared>>) offsets(%dma_start3A_158 : memref<80xi32, #tpu.memory_space<vmem>>) semaphore(%run_scoped3A_152 : memref<!tpu.dma_semaphore, #tpu.memory_space<semaphore_mem>>) {add = true}
      %dma_wait3A_162 = arith.constant 0 : i32
      %dma_wait3A_163 = arith.constant 0 : i32
      %dma_wait3A_164 = tpu.memref_slice %arg7[%run_scoped3A_121, %dma_wait3A_162, %dma_wait3A_163] : memref<3x80x128xf32, #tpu.memory_space<vmem>> -> memref<1x80x128xf32, #tpu.memory_space<vmem>>
      %dma_wait3A_165 = tpu.memref_squeeze %dma_wait3A_164 : memref<1x80x128xf32, #tpu.memory_space<vmem>> -> memref<80x128xf32, #tpu.memory_space<vmem>>
      %dma_wait3A_166 = arith.constant 9840 : i32
      %dma_wait3A_167 = tpu.memref_slice %arg6[%dma_wait3A_166] : memref<10000xi32, #tpu.memory_space<vmem>> -> memref<80xi32, #tpu.memory_space<vmem>>
      %dma_wait3A_168 = arith.constant 0 : i32
      %dma_wait3A_169 = arith.constant 0 : i32
      %dma_wait3A_170 = tpu.memref_slice %arg8[%dma_wait3A_168, %dma_wait3A_169] : memref<10000x128xf32, #tpu.memory_space<vmem_shared>> -> memref<10000x128xf32, #tpu.memory_space<vmem_shared>>
      tpu.wait_indirect_dma semaphore(%run_scoped3A_152 : memref<!tpu.dma_semaphore, #tpu.memory_space<semaphore_mem>>) src(%dma_wait3A_165 : memref<80x128xf32, #tpu.memory_space<vmem>>) dst(%dma_wait3A_170 : memref<10000x128xf32, #tpu.memory_space<vmem_shared>>)
      tpu.yield
    }) : () -> ()
    %dma_wait3A_122 = arith.constant 1 : i32
    %dma_wait3A_123 = arith.constant 0 : i32
    %dma_wait3A_124 = arith.constant 0 : i32
    %dma_wait3A_125 = tpu.memref_slice %arg7[%dma_wait3A_122, %dma_wait3A_123, %dma_wait3A_124] : memref<3x80x128xf32, #tpu.memory_space<vmem>> -> memref<1x80x128xf32, #tpu.memory_space<vmem>>
    %dma_wait3A_126 = tpu.memref_squeeze %dma_wait3A_125 : memref<1x80x128xf32, #tpu.memory_space<vmem>> -> memref<80x128xf32, #tpu.memory_space<vmem>>
    %dma_wait3A_127 = arith.constant 9920 : i32
    %dma_wait3A_128 = tpu.memref_slice %arg5[%dma_wait3A_127] : memref<10000xi32, #tpu.memory_space<vmem>> -> memref<80xi32, #tpu.memory_space<vmem>>
    %dma_wait3A_129 = arith.constant 0 : i32
    %dma_wait3A_130 = arith.constant 0 : i32
    %dma_wait3A_131 = tpu.memref_slice %arg2[%dma_wait3A_129, %dma_wait3A_130] : memref<10000x128xf32, #tpu.memory_space<hbm>> -> memref<10000x128xf32, #tpu.memory_space<hbm>>
    tpu.wait_indirect_dma semaphore(%arg10 : memref<!tpu.dma_semaphore, #tpu.memory_space<semaphore_mem>>) src(%dma_wait3A_131 : memref<10000x128xf32, #tpu.memory_space<hbm>>) dst(%dma_wait3A_126 : memref<80x128xf32, #tpu.memory_space<vmem>>)
    %run_scoped3A_132 = arith.constant 1 : i32
    "tpu.region"() ({
      %run_scoped3A_152 = tpu.sem_alloc : memref<!tpu.dma_semaphore, #tpu.memory_space<semaphore_mem>>
      %dma_start3A_153 = arith.constant 0 : i32
      %dma_start3A_154 = arith.constant 0 : i32
      %dma_start3A_155 = tpu.memref_slice %arg7[%run_scoped3A_132, %dma_start3A_153, %dma_start3A_154] : memref<3x80x128xf32, #tpu.memory_space<vmem>> -> memref<1x80x128xf32, #tpu.memory_space<vmem>>
      %dma_start3A_156 = tpu.memref_squeeze %dma_start3A_155 : memref<1x80x128xf32, #tpu.memory_space<vmem>> -> memref<80x128xf32, #tpu.memory_space<vmem>>
      %dma_start3A_157 = arith.constant 9920 : i32
      %dma_start3A_158 = tpu.memref_slice %arg6[%dma_start3A_157] : memref<10000xi32, #tpu.memory_space<vmem>> -> memref<80xi32, #tpu.memory_space<vmem>>
      %dma_start3A_159 = arith.constant 0 : i32
      %dma_start3A_160 = arith.constant 0 : i32
      %dma_start3A_161 = tpu.memref_slice %arg8[%dma_start3A_159, %dma_start3A_160] : memref<10000x128xf32, #tpu.memory_space<vmem_shared>> -> memref<10000x128xf32, #tpu.memory_space<vmem_shared>>
      tpu.enqueue_indirect_dma source(%dma_start3A_156 : memref<80x128xf32, #tpu.memory_space<vmem>>) target(%dma_start3A_161 : memref<10000x128xf32, #tpu.memory_space<vmem_shared>>) offsets(%dma_start3A_158 : memref<80xi32, #tpu.memory_space<vmem>>) semaphore(%run_scoped3A_152 : memref<!tpu.dma_semaphore, #tpu.memory_space<semaphore_mem>>) {add = true}
      %dma_wait3A_162 = arith.constant 0 : i32
      %dma_wait3A_163 = arith.constant 0 : i32
      %dma_wait3A_164 = tpu.memref_slice %arg7[%run_scoped3A_132, %dma_wait3A_162, %dma_wait3A_163] : memref<3x80x128xf32, #tpu.memory_space<vmem>> -> memref<1x80x128xf32, #tpu.memory_space<vmem>>
      %dma_wait3A_165 = tpu.memref_squeeze %dma_wait3A_164 : memref<1x80x128xf32, #tpu.memory_space<vmem>> -> memref<80x128xf32, #tpu.memory_space<vmem>>
      %dma_wait3A_166 = arith.constant 9920 : i32
      %dma_wait3A_167 = tpu.memref_slice %arg6[%dma_wait3A_166] : memref<10000xi32, #tpu.memory_space<vmem>> -> memref<80xi32, #tpu.memory_space<vmem>>
      %dma_wait3A_168 = arith.constant 0 : i32
      %dma_wait3A_169 = arith.constant 0 : i32
      %dma_wait3A_170 = tpu.memref_slice %arg8[%dma_wait3A_168, %dma_wait3A_169] : memref<10000x128xf32, #tpu.memory_space<vmem_shared>> -> memref<10000x128xf32, #tpu.memory_space<vmem_shared>>
      tpu.wait_indirect_dma semaphore(%run_scoped3A_152 : memref<!tpu.dma_semaphore, #tpu.memory_space<semaphore_mem>>) src(%dma_wait3A_165 : memref<80x128xf32, #tpu.memory_space<vmem>>) dst(%dma_wait3A_170 : memref<10000x128xf32, #tpu.memory_space<vmem_shared>>)
      tpu.yield
    }) : () -> ()
    %barrier3A_133 = arith.constant 0 : index
    tpu.barrier barrier_id(%barrier3A_133)
    %sub3A_134 = arith.constant 125 : i32
    %sub3A_135 = arith.subi %sub3A_134, %arg1 : i32
    %sub3A_136 = arith.constant 16 : i32
    %sub3A_137 = arith.constant 1 : i32
    %sub3A_138 = arith.subi %sub3A_136, %sub3A_137 : i32
    %add3A_139 = arith.addi %sub3A_135, %sub3A_138 : i32
    %div3A_140 = arith.constant 16 : i32
    %div3A_141 = arith.divsi %add3A_139, %div3A_140 : i32
    %while3A_142 = arith.constant 16 : i32
    %while3A_143 = arith.constant 0 : i32
    %while3A_144 = arith.subi %div3A_141, %while3A_143 : i32
    %while3A_145 = arith.addi %while3A_143, %while3A_144 : i32
    %while3A_146 = arith.constant 1 : i32
    %while3A_147 = arith.divsi %while3A_144, %while3A_146 : i32
    %while3A_148 = arith.muli %while3A_147, %while3A_146 : i32
    %while3A_149 = arith.addi %while3A_143, %while3A_148 : i32
    %while3A_150 = arith.constant 1 : i32
    scf.for %while3A_152 = %while3A_143 to %while3A_149 step %while3A_150  : i32 {
      %mul3A_153 = arith.muli %while3A_152, %while3A_142 : i32
      %add3A_154 = arith.addi %arg1, %mul3A_153 : i32
      %mul3A_155 = arith.constant 80 : i32
      %mul3A_156 = arith.muli %add3A_154, %mul3A_155 : i32
      %mul3A_157 = arith.constant 80 : i32
      %mul3A_158 = arith.muli %add3A_154, %mul3A_157 : i32
      "tpu.region"() ({
        %run_scoped3A_159 = tpu.sem_alloc : memref<!tpu.dma_semaphore, #tpu.memory_space<semaphore_mem>>
        %dma_start3A_160 = arith.constant 0 : i32
        %dma_start3A_161 = tpu.memref_slice %arg4[%arg0, %mul3A_158, %dma_start3A_160] : memref<2x10000x128xf32, #tpu.memory_space<hbm>> -> memref<1x80x128xf32, #tpu.memory_space<hbm>>
        %dma_start3A_162 = tpu.memref_squeeze %dma_start3A_161 : memref<1x80x128xf32, #tpu.memory_space<hbm>> -> memref<80x128xf32, #tpu.memory_space<hbm>>
        %dma_start3A_163 = arith.constant 0 : i32
        %dma_start3A_164 = tpu.memref_slice %arg8[%mul3A_156, %dma_start3A_163] : memref<10000x128xf32, #tpu.memory_space<vmem_shared>> -> memref<80x128xf32, #tpu.memory_space<vmem_shared>>
        tpu.enqueue_dma source(%dma_start3A_164 : memref<80x128xf32, #tpu.memory_space<vmem_shared>>) target(%dma_start3A_162 : memref<80x128xf32, #tpu.memory_space<hbm>>) target_semaphore(%run_scoped3A_159 : memref<!tpu.dma_semaphore, #tpu.memory_space<semaphore_mem>>)
        %dma_wait3A_165 = arith.constant 0 : i32
        %dma_wait3A_166 = tpu.memref_slice %arg4[%arg0, %mul3A_158, %dma_wait3A_165] : memref<2x10000x128xf32, #tpu.memory_space<hbm>> -> memref<1x80x128xf32, #tpu.memory_space<hbm>>
        %dma_wait3A_167 = tpu.memref_squeeze %dma_wait3A_166 : memref<1x80x128xf32, #tpu.memory_space<hbm>> -> memref<80x128xf32, #tpu.memory_space<hbm>>
        %dma_wait3A_168 = arith.constant 0 : i32
        %dma_wait3A_169 = tpu.memref_slice %arg8[%mul3A_156, %dma_wait3A_168] : memref<10000x128xf32, #tpu.memory_space<vmem_shared>> -> memref<80x128xf32, #tpu.memory_space<vmem_shared>>
        tpu.wait_dma2 semaphore(%run_scoped3A_159 : memref<!tpu.dma_semaphore, #tpu.memory_space<semaphore_mem>>) src(%dma_wait3A_169 : memref<80x128xf32, #tpu.memory_space<vmem_shared>>) dst(%dma_wait3A_167 : memref<80x128xf32, #tpu.memory_space<hbm>>)
        tpu.yield
      }) : () -> ()
    }
    %while3A_151 = arith.constant 1 : i32
    scf.for %while3A_152 = %while3A_149 to %while3A_145 step %while3A_151  : i32 {
      %mul3A_153 = arith.muli %while3A_152, %while3A_142 : i32
      %add3A_154 = arith.addi %arg1, %mul3A_153 : i32
      %mul3A_155 = arith.constant 80 : i32
      %mul3A_156 = arith.muli %add3A_154, %mul3A_155 : i32
      %mul3A_157 = arith.constant 80 : i32
      %mul3A_158 = arith.muli %add3A_154, %mul3A_157 : i32
      "tpu.region"() ({
        %run_scoped3A_159 = tpu.sem_alloc : memref<!tpu.dma_semaphore, #tpu.memory_space<semaphore_mem>>
        %dma_start3A_160 = arith.constant 0 : i32
        %dma_start3A_161 = tpu.memref_slice %arg4[%arg0, %mul3A_158, %dma_start3A_160] : memref<2x10000x128xf32, #tpu.memory_space<hbm>> -> memref<1x80x128xf32, #tpu.memory_space<hbm>>
        %dma_start3A_162 = tpu.memref_squeeze %dma_start3A_161 : memref<1x80x128xf32, #tpu.memory_space<hbm>> -> memref<80x128xf32, #tpu.memory_space<hbm>>
        %dma_start3A_163 = arith.constant 0 : i32
        %dma_start3A_164 = tpu.memref_slice %arg8[%mul3A_156, %dma_start3A_163] : memref<10000x128xf32, #tpu.memory_space<vmem_shared>> -> memref<80x128xf32, #tpu.memory_space<vmem_shared>>
        tpu.enqueue_dma source(%dma_start3A_164 : memref<80x128xf32, #tpu.memory_space<vmem_shared>>) target(%dma_start3A_162 : memref<80x128xf32, #tpu.memory_space<hbm>>) target_semaphore(%run_scoped3A_159 : memref<!tpu.dma_semaphore, #tpu.memory_space<semaphore_mem>>)
        %dma_wait3A_165 = arith.constant 0 : i32
        %dma_wait3A_166 = tpu.memref_slice %arg4[%arg0, %mul3A_158, %dma_wait3A_165] : memref<2x10000x128xf32, #tpu.memory_space<hbm>> -> memref<1x80x128xf32, #tpu.memory_space<hbm>>
        %dma_wait3A_167 = tpu.memref_squeeze %dma_wait3A_166 : memref<1x80x128xf32, #tpu.memory_space<hbm>> -> memref<80x128xf32, #tpu.memory_space<hbm>>
        %dma_wait3A_168 = arith.constant 0 : i32
        %dma_wait3A_169 = tpu.memref_slice %arg8[%mul3A_156, %dma_wait3A_168] : memref<10000x128xf32, #tpu.memory_space<vmem_shared>> -> memref<80x128xf32, #tpu.memory_space<vmem_shared>>
        tpu.wait_dma2 semaphore(%run_scoped3A_159 : memref<!tpu.dma_semaphore, #tpu.memory_space<semaphore_mem>>) src(%dma_wait3A_169 : memref<80x128xf32, #tpu.memory_space<vmem_shared>>) dst(%dma_wait3A_167 : memref<80x128xf32, #tpu.memory_space<hbm>>)
        tpu.yield
      }) : () -> ()
    }
    return
  }
}

#map = affine_map<(d0, d1) -> (0, 0)>
#map1 = affine_map<(d0, d1) -> (0, 0, 0)>
module attributes {stable_mosaic.version = 14 : i64} {
  func.func @deg_kernel(%arg0: i32, %arg1: i32, %arg2: memref<2x320000xi32, #tpu.memory_space<hbm>>, %arg3: memref<2x10000x16xf32, #tpu.memory_space<hbm>>, %arg4: memref<10000xi32, #tpu.memory_space<vmem>>, %arg5: memref<80x16xf32, #tpu.memory_space<vmem>>, %arg6: memref<80x16xf32, #tpu.memory_space<vmem>>, %arg7: memref<10000x16xf32, #tpu.memory_space<vmem_shared>>, %arg8: memref<!tpu.dma_semaphore, #tpu.memory_space<semaphore_mem>>) attributes {dimension_semantics = [#tpu.dimension_semantics<core_parallel>, #tpu.dimension_semantics<subcore_parallel>], iteration_bounds = array<i64: 2, 16>, scalar_prefetch = 0 : i64, scratch_operands = 5 : i64, tpu.core_type = #tpu.core_type<sc_vector_subcore>, window_params = [{transform_indices = #map}, {transform_indices = #map1}]} {
    %mul3A = arith.constant 16 : i32
    %mul3A_0 = arith.muli %arg0, %mul3A : i32
    %add3A = arith.addi %mul3A_0, %arg1 : i32
    %mul3A_1 = arith.constant 10000 : i32
    %mul3A_2 = arith.muli %add3A, %mul3A_1 : i32
    %run_scoped3A = arith.constant 0 : i32
    "tpu.region"() ({
      %run_scoped3A_51 = tpu.sem_alloc : memref<!tpu.dma_semaphore, #tpu.memory_space<semaphore_mem>>
      %dma_start3A = tpu.memref_slice %arg2[%run_scoped3A, %mul3A_2] : memref<2x320000xi32, #tpu.memory_space<hbm>> -> memref<1x10000xi32, #tpu.memory_space<hbm>>
      %dma_start3A_52 = tpu.memref_squeeze %dma_start3A : memref<1x10000xi32, #tpu.memory_space<hbm>> -> memref<10000xi32, #tpu.memory_space<hbm>>
      %dma_start3A_53 = tpu.memref_slice %arg2[%run_scoped3A, %mul3A_2] : memref<2x320000xi32, #tpu.memory_space<hbm>> -> memref<1x10000xi32, #tpu.memory_space<hbm>>
      %dma_start3A_54 = tpu.memref_squeeze %dma_start3A_53 : memref<1x10000xi32, #tpu.memory_space<hbm>> -> memref<10000xi32, #tpu.memory_space<hbm>>
      tpu.enqueue_dma source(%dma_start3A_54 : memref<10000xi32, #tpu.memory_space<hbm>>) target(%arg4 : memref<10000xi32, #tpu.memory_space<vmem>>) target_semaphore(%run_scoped3A_51 : memref<!tpu.dma_semaphore, #tpu.memory_space<semaphore_mem>>)
      %dma_wait3A = tpu.memref_slice %arg2[%run_scoped3A, %mul3A_2] : memref<2x320000xi32, #tpu.memory_space<hbm>> -> memref<1x10000xi32, #tpu.memory_space<hbm>>
      %dma_wait3A_55 = tpu.memref_squeeze %dma_wait3A : memref<1x10000xi32, #tpu.memory_space<hbm>> -> memref<10000xi32, #tpu.memory_space<hbm>>
      %dma_wait3A_56 = tpu.memref_slice %arg2[%run_scoped3A, %mul3A_2] : memref<2x320000xi32, #tpu.memory_space<hbm>> -> memref<1x10000xi32, #tpu.memory_space<hbm>>
      %dma_wait3A_57 = tpu.memref_squeeze %dma_wait3A_56 : memref<1x10000xi32, #tpu.memory_space<hbm>> -> memref<10000xi32, #tpu.memory_space<hbm>>
      tpu.wait_dma2 semaphore(%run_scoped3A_51 : memref<!tpu.dma_semaphore, #tpu.memory_space<semaphore_mem>>) src(%dma_wait3A_57 : memref<10000xi32, #tpu.memory_space<hbm>>) dst(%arg4 : memref<10000xi32, #tpu.memory_space<vmem>>)
      tpu.yield
    }) : () -> ()
    %scan3A = arith.constant 0 : i32
    %scan3A_3 = arith.constant 80 : i32
    %scan3A_4 = arith.addi %scan3A, %scan3A_3 : i32
    %scan3A_5 = arith.constant 1 : i32
    scf.for %scan3A_51 = %scan3A to %scan3A_4 step %scan3A_5  : i32 {
      %mul3A_52 = arith.constant 1 : i32
      %mul3A_53 = arith.muli %scan3A_51, %mul3A_52 : i32
      %add3A_54 = arith.constant 0 : i32
      %add3A_55 = arith.addi %add3A_54, %mul3A_53 : i32
      %broadcast_in_dim3A = arith.constant 1.000000e+00 : f32
      %broadcast_in_dim3A_56 = vector.broadcast %broadcast_in_dim3A : f32 to vector<16xf32>
      %swap3A = arith.index_cast %add3A_55 : i32 to index
      %swap3A_57 = arith.constant 0 : index
      %swap3A_58 = tpu.vector_load %arg5[%swap3A, %swap3A_57] {strides = array<i32>} : memref<80x16xf32, #tpu.memory_space<vmem>>, vector<1x16xf32>,
      %swap3A_59 = vector.shape_cast %swap3A_58 : vector<1x16xf32> to vector<16xf32>
      %swap3A_60 = vector.shape_cast %broadcast_in_dim3A_56 : vector<16xf32> to vector<1x16xf32>
      tpu.vector_store %arg5[%swap3A, %swap3A_57], %swap3A_60 {strides = array<i32>} : memref<80x16xf32, #tpu.memory_space<vmem>>, vector<1x16xf32>,
    }
    %scan3A_6 = arith.constant 80 : i32
    %scan3A_7 = arith.constant 0 : i32
    %scan3A_8 = arith.constant 80 : i32
    %scan3A_9 = arith.addi %scan3A_7, %scan3A_8 : i32
    %scan3A_10 = arith.constant 1 : i32
    scf.for %scan3A_51 = %scan3A_7 to %scan3A_9 step %scan3A_10  : i32 {
      %mul3A_52 = arith.constant 1 : i32
      %mul3A_53 = arith.muli %scan3A_51, %mul3A_52 : i32
      %add3A_54 = arith.constant 0 : i32
      %add3A_55 = arith.addi %add3A_54, %mul3A_53 : i32
      %broadcast_in_dim3A = arith.constant 0.000000e+00 : f32
      %broadcast_in_dim3A_56 = vector.broadcast %broadcast_in_dim3A : f32 to vector<16xf32>
      %swap3A = arith.index_cast %add3A_55 : i32 to index
      %swap3A_57 = arith.constant 0 : index
      %swap3A_58 = tpu.vector_load %arg6[%swap3A, %swap3A_57] {strides = array<i32>} : memref<80x16xf32, #tpu.memory_space<vmem>>, vector<1x16xf32>,
      %swap3A_59 = vector.shape_cast %swap3A_58 : vector<1x16xf32> to vector<16xf32>
      %swap3A_60 = vector.shape_cast %broadcast_in_dim3A_56 : vector<16xf32> to vector<1x16xf32>
      tpu.vector_store %arg6[%swap3A, %swap3A_57], %swap3A_60 {strides = array<i32>} : memref<80x16xf32, #tpu.memory_space<vmem>>, vector<1x16xf32>,
    }
    %scan3A_11 = arith.constant 80 : i32
    %sub3A = arith.constant 125 : i32
    %sub3A_12 = arith.subi %sub3A, %arg1 : i32
    %sub3A_13 = arith.constant 16 : i32
    %sub3A_14 = arith.constant 1 : i32
    %sub3A_15 = arith.subi %sub3A_13, %sub3A_14 : i32
    %add3A_16 = arith.addi %sub3A_12, %sub3A_15 : i32
    %div3A = arith.constant 16 : i32
    %div3A_17 = arith.divsi %add3A_16, %div3A : i32
    %while3A = arith.constant 16 : i32
    %while3A_18 = arith.constant 0 : i32
    %while3A_19 = arith.subi %div3A_17, %while3A_18 : i32
    %while3A_20 = arith.addi %while3A_18, %while3A_19 : i32
    %while3A_21 = arith.constant 1 : i32
    %while3A_22 = arith.divsi %while3A_19, %while3A_21 : i32
    %while3A_23 = arith.muli %while3A_22, %while3A_21 : i32
    %while3A_24 = arith.addi %while3A_18, %while3A_23 : i32
    %while3A_25 = arith.constant 1 : i32
    scf.for %while3A_51 = %while3A_18 to %while3A_24 step %while3A_25  : i32 {
      %mul3A_52 = arith.muli %while3A_51, %while3A : i32
      %add3A_53 = arith.addi %arg1, %mul3A_52 : i32
      %mul3A_54 = arith.constant 80 : i32
      %mul3A_55 = arith.muli %add3A_53, %mul3A_54 : i32
      "tpu.region"() ({
        %run_scoped3A_56 = tpu.sem_alloc : memref<!tpu.dma_semaphore, #tpu.memory_space<semaphore_mem>>
        %dma_start3A = arith.constant 0 : i32
        %dma_start3A_57 = tpu.memref_slice %arg7[%mul3A_55, %dma_start3A] : memref<10000x16xf32, #tpu.memory_space<vmem_shared>> -> memref<80x16xf32, #tpu.memory_space<vmem_shared>>
        %dma_start3A_58 = arith.constant 0 : i32
        %dma_start3A_59 = tpu.memref_slice %arg7[%mul3A_55, %dma_start3A_58] : memref<10000x16xf32, #tpu.memory_space<vmem_shared>> -> memref<80x16xf32, #tpu.memory_space<vmem_shared>>
        tpu.enqueue_dma source(%arg6 : memref<80x16xf32, #tpu.memory_space<vmem>>) target(%dma_start3A_59 : memref<80x16xf32, #tpu.memory_space<vmem_shared>>) target_semaphore(%run_scoped3A_56 : memref<!tpu.dma_semaphore, #tpu.memory_space<semaphore_mem>>)
        %dma_wait3A = arith.constant 0 : i32
        %dma_wait3A_60 = tpu.memref_slice %arg7[%mul3A_55, %dma_wait3A] : memref<10000x16xf32, #tpu.memory_space<vmem_shared>> -> memref<80x16xf32, #tpu.memory_space<vmem_shared>>
        %dma_wait3A_61 = arith.constant 0 : i32
        %dma_wait3A_62 = tpu.memref_slice %arg7[%mul3A_55, %dma_wait3A_61] : memref<10000x16xf32, #tpu.memory_space<vmem_shared>> -> memref<80x16xf32, #tpu.memory_space<vmem_shared>>
        tpu.wait_dma2 semaphore(%run_scoped3A_56 : memref<!tpu.dma_semaphore, #tpu.memory_space<semaphore_mem>>) src(%arg6 : memref<80x16xf32, #tpu.memory_space<vmem>>) dst(%dma_wait3A_62 : memref<80x16xf32, #tpu.memory_space<vmem_shared>>)
        tpu.yield
      }) : () -> ()
    }
    %while3A_26 = arith.constant 1 : i32
    scf.for %while3A_51 = %while3A_24 to %while3A_20 step %while3A_26  : i32 {
      %mul3A_52 = arith.muli %while3A_51, %while3A : i32
      %add3A_53 = arith.addi %arg1, %mul3A_52 : i32
      %mul3A_54 = arith.constant 80 : i32
      %mul3A_55 = arith.muli %add3A_53, %mul3A_54 : i32
      "tpu.region"() ({
        %run_scoped3A_56 = tpu.sem_alloc : memref<!tpu.dma_semaphore, #tpu.memory_space<semaphore_mem>>
        %dma_start3A = arith.constant 0 : i32
        %dma_start3A_57 = tpu.memref_slice %arg7[%mul3A_55, %dma_start3A] : memref<10000x16xf32, #tpu.memory_space<vmem_shared>> -> memref<80x16xf32, #tpu.memory_space<vmem_shared>>
        %dma_start3A_58 = arith.constant 0 : i32
        %dma_start3A_59 = tpu.memref_slice %arg7[%mul3A_55, %dma_start3A_58] : memref<10000x16xf32, #tpu.memory_space<vmem_shared>> -> memref<80x16xf32, #tpu.memory_space<vmem_shared>>
        tpu.enqueue_dma source(%arg6 : memref<80x16xf32, #tpu.memory_space<vmem>>) target(%dma_start3A_59 : memref<80x16xf32, #tpu.memory_space<vmem_shared>>) target_semaphore(%run_scoped3A_56 : memref<!tpu.dma_semaphore, #tpu.memory_space<semaphore_mem>>)
        %dma_wait3A = arith.constant 0 : i32
        %dma_wait3A_60 = tpu.memref_slice %arg7[%mul3A_55, %dma_wait3A] : memref<10000x16xf32, #tpu.memory_space<vmem_shared>> -> memref<80x16xf32, #tpu.memory_space<vmem_shared>>
        %dma_wait3A_61 = arith.constant 0 : i32
        %dma_wait3A_62 = tpu.memref_slice %arg7[%mul3A_55, %dma_wait3A_61] : memref<10000x16xf32, #tpu.memory_space<vmem_shared>> -> memref<80x16xf32, #tpu.memory_space<vmem_shared>>
        tpu.wait_dma2 semaphore(%run_scoped3A_56 : memref<!tpu.dma_semaphore, #tpu.memory_space<semaphore_mem>>) src(%arg6 : memref<80x16xf32, #tpu.memory_space<vmem>>) dst(%dma_wait3A_62 : memref<80x16xf32, #tpu.memory_space<vmem_shared>>)
        tpu.yield
      }) : () -> ()
    }
    %barrier3A = arith.constant 0 : index
    tpu.barrier barrier_id(%barrier3A)
    %scan3A_27 = arith.constant 0 : i32
    %scan3A_28 = arith.constant 25 : i32
    %scan3A_29 = arith.addi %scan3A_27, %scan3A_28 : i32
    %scan3A_30 = arith.constant 1 : i32
    scf.for %scan3A_51 = %scan3A_27 to %scan3A_29 step %scan3A_30  : i32 {
      %mul3A_52 = arith.constant 1 : i32
      %mul3A_53 = arith.muli %scan3A_51, %mul3A_52 : i32
      %add3A_54 = arith.constant 0 : i32
      %add3A_55 = arith.addi %add3A_54, %mul3A_53 : i32
      %scan3A_56 = arith.constant 0 : i32
      %scan3A_57 = arith.constant 5 : i32
      %scan3A_58 = arith.addi %scan3A_56, %scan3A_57 : i32
      %scan3A_59 = arith.constant 1 : i32
      scf.for %scan3A_66 = %scan3A_56 to %scan3A_58 step %scan3A_59  : i32 {
        %mul3A_67 = arith.constant 1 : i32
        %mul3A_68 = arith.muli %scan3A_66, %mul3A_67 : i32
        %add3A_69 = arith.constant 0 : i32
        %add3A_70 = arith.addi %add3A_69, %mul3A_68 : i32
        %mul3A_71 = arith.constant 5 : i32
        %mul3A_72 = arith.muli %add3A_55, %mul3A_71 : i32
        %add3A_73 = arith.addi %mul3A_72, %add3A_70 : i32
        %mul3A_74 = arith.constant 80 : i32
        %mul3A_75 = arith.muli %add3A_73, %mul3A_74 : i32
        %dma_start3A = tpu.memref_slice %arg4[%mul3A_75] : memref<10000xi32, #tpu.memory_space<vmem>> -> memref<80xi32, #tpu.memory_space<vmem>>
        %dma_start3A_76 = arith.constant 0 : i32
        %dma_start3A_77 = arith.constant 0 : i32
        %dma_start3A_78 = tpu.memref_slice %arg7[%dma_start3A_76, %dma_start3A_77] : memref<10000x16xf32, #tpu.memory_space<vmem_shared>> -> memref<10000x16xf32, #tpu.memory_space<vmem_shared>>
        tpu.enqueue_indirect_dma source(%arg5 : memref<80x16xf32, #tpu.memory_space<vmem>>) target(%dma_start3A_78 : memref<10000x16xf32, #tpu.memory_space<vmem_shared>>) offsets(%dma_start3A : memref<80xi32, #tpu.memory_space<vmem>>) semaphore(%arg8 : memref<!tpu.dma_semaphore, #tpu.memory_space<semaphore_mem>>) {add = true}
      }
      %scan3A_60 = arith.constant 5 : i32
      %scan3A_61 = arith.constant 0 : i32
      %scan3A_62 = arith.constant 5 : i32
      %scan3A_63 = arith.addi %scan3A_61, %scan3A_62 : i32
      %scan3A_64 = arith.constant 1 : i32
      scf.for %scan3A_66 = %scan3A_61 to %scan3A_63 step %scan3A_64  : i32 {
        %mul3A_67 = arith.constant 1 : i32
        %mul3A_68 = arith.muli %scan3A_66, %mul3A_67 : i32
        %add3A_69 = arith.constant 0 : i32
        %add3A_70 = arith.addi %add3A_69, %mul3A_68 : i32
        %mul3A_71 = arith.constant 5 : i32
        %mul3A_72 = arith.muli %add3A_55, %mul3A_71 : i32
        %add3A_73 = arith.addi %mul3A_72, %add3A_70 : i32
        %mul3A_74 = arith.constant 80 : i32
        %mul3A_75 = arith.muli %add3A_73, %mul3A_74 : i32
        %dma_wait3A = tpu.memref_slice %arg4[%mul3A_75] : memref<10000xi32, #tpu.memory_space<vmem>> -> memref<80xi32, #tpu.memory_space<vmem>>
        %dma_wait3A_76 = arith.constant 0 : i32
        %dma_wait3A_77 = arith.constant 0 : i32
        %dma_wait3A_78 = tpu.memref_slice %arg7[%dma_wait3A_76, %dma_wait3A_77] : memref<10000x16xf32, #tpu.memory_space<vmem_shared>> -> memref<10000x16xf32, #tpu.memory_space<vmem_shared>>
        tpu.wait_indirect_dma semaphore(%arg8 : memref<!tpu.dma_semaphore, #tpu.memory_space<semaphore_mem>>) src(%arg5 : memref<80x16xf32, #tpu.memory_space<vmem>>) dst(%dma_wait3A_78 : memref<10000x16xf32, #tpu.memory_space<vmem_shared>>)
      }
      %scan3A_65 = arith.constant 5 : i32
    }
    %scan3A_31 = arith.constant 25 : i32
    %barrier3A_32 = arith.constant 0 : index
    tpu.barrier barrier_id(%barrier3A_32)
    %sub3A_33 = arith.constant 125 : i32
    %sub3A_34 = arith.subi %sub3A_33, %arg1 : i32
    %sub3A_35 = arith.constant 16 : i32
    %sub3A_36 = arith.constant 1 : i32
    %sub3A_37 = arith.subi %sub3A_35, %sub3A_36 : i32
    %add3A_38 = arith.addi %sub3A_34, %sub3A_37 : i32
    %div3A_39 = arith.constant 16 : i32
    %div3A_40 = arith.divsi %add3A_38, %div3A_39 : i32
    %while3A_41 = arith.constant 16 : i32
    %while3A_42 = arith.constant 0 : i32
    %while3A_43 = arith.subi %div3A_40, %while3A_42 : i32
    %while3A_44 = arith.addi %while3A_42, %while3A_43 : i32
    %while3A_45 = arith.constant 1 : i32
    %while3A_46 = arith.divsi %while3A_43, %while3A_45 : i32
    %while3A_47 = arith.muli %while3A_46, %while3A_45 : i32
    %while3A_48 = arith.addi %while3A_42, %while3A_47 : i32
    %while3A_49 = arith.constant 1 : i32
    scf.for %while3A_51 = %while3A_42 to %while3A_48 step %while3A_49  : i32 {
      %mul3A_52 = arith.muli %while3A_51, %while3A_41 : i32
      %add3A_53 = arith.addi %arg1, %mul3A_52 : i32
      %mul3A_54 = arith.constant 80 : i32
      %mul3A_55 = arith.muli %add3A_53, %mul3A_54 : i32
      %mul3A_56 = arith.constant 80 : i32
      %mul3A_57 = arith.muli %add3A_53, %mul3A_56 : i32
      "tpu.region"() ({
        %run_scoped3A_58 = tpu.sem_alloc : memref<!tpu.dma_semaphore, #tpu.memory_space<semaphore_mem>>
        %dma_start3A = arith.constant 0 : i32
        %dma_start3A_59 = tpu.memref_slice %arg3[%arg0, %mul3A_57, %dma_start3A] : memref<2x10000x16xf32, #tpu.memory_space<hbm>> -> memref<1x80x16xf32, #tpu.memory_space<hbm>>
        %dma_start3A_60 = tpu.memref_squeeze %dma_start3A_59 : memref<1x80x16xf32, #tpu.memory_space<hbm>> -> memref<80x16xf32, #tpu.memory_space<hbm>>
        %dma_start3A_61 = arith.constant 0 : i32
        %dma_start3A_62 = tpu.memref_slice %arg7[%mul3A_55, %dma_start3A_61] : memref<10000x16xf32, #tpu.memory_space<vmem_shared>> -> memref<80x16xf32, #tpu.memory_space<vmem_shared>>
        tpu.enqueue_dma source(%dma_start3A_62 : memref<80x16xf32, #tpu.memory_space<vmem_shared>>) target(%dma_start3A_60 : memref<80x16xf32, #tpu.memory_space<hbm>>) target_semaphore(%run_scoped3A_58 : memref<!tpu.dma_semaphore, #tpu.memory_space<semaphore_mem>>)
        %dma_wait3A = arith.constant 0 : i32
        %dma_wait3A_63 = tpu.memref_slice %arg3[%arg0, %mul3A_57, %dma_wait3A] : memref<2x10000x16xf32, #tpu.memory_space<hbm>> -> memref<1x80x16xf32, #tpu.memory_space<hbm>>
        %dma_wait3A_64 = tpu.memref_squeeze %dma_wait3A_63 : memref<1x80x16xf32, #tpu.memory_space<hbm>> -> memref<80x16xf32, #tpu.memory_space<hbm>>
        %dma_wait3A_65 = arith.constant 0 : i32
        %dma_wait3A_66 = tpu.memref_slice %arg7[%mul3A_55, %dma_wait3A_65] : memref<10000x16xf32, #tpu.memory_space<vmem_shared>> -> memref<80x16xf32, #tpu.memory_space<vmem_shared>>
        tpu.wait_dma2 semaphore(%run_scoped3A_58 : memref<!tpu.dma_semaphore, #tpu.memory_space<semaphore_mem>>) src(%dma_wait3A_66 : memref<80x16xf32, #tpu.memory_space<vmem_shared>>) dst(%dma_wait3A_64 : memref<80x16xf32, #tpu.memory_space<hbm>>)
        tpu.yield
      }) : () -> ()
    }
    %while3A_50 = arith.constant 1 : i32
    scf.for %while3A_51 = %while3A_48 to %while3A_44 step %while3A_50  : i32 {
      %mul3A_52 = arith.muli %while3A_51, %while3A_41 : i32
      %add3A_53 = arith.addi %arg1, %mul3A_52 : i32
      %mul3A_54 = arith.constant 80 : i32
      %mul3A_55 = arith.muli %add3A_53, %mul3A_54 : i32
      %mul3A_56 = arith.constant 80 : i32
      %mul3A_57 = arith.muli %add3A_53, %mul3A_56 : i32
      "tpu.region"() ({
        %run_scoped3A_58 = tpu.sem_alloc : memref<!tpu.dma_semaphore, #tpu.memory_space<semaphore_mem>>
        %dma_start3A = arith.constant 0 : i32
        %dma_start3A_59 = tpu.memref_slice %arg3[%arg0, %mul3A_57, %dma_start3A] : memref<2x10000x16xf32, #tpu.memory_space<hbm>> -> memref<1x80x16xf32, #tpu.memory_space<hbm>>
        %dma_start3A_60 = tpu.memref_squeeze %dma_start3A_59 : memref<1x80x16xf32, #tpu.memory_space<hbm>> -> memref<80x16xf32, #tpu.memory_space<hbm>>
        %dma_start3A_61 = arith.constant 0 : i32
        %dma_start3A_62 = tpu.memref_slice %arg7[%mul3A_55, %dma_start3A_61] : memref<10000x16xf32, #tpu.memory_space<vmem_shared>> -> memref<80x16xf32, #tpu.memory_space<vmem_shared>>
        tpu.enqueue_dma source(%dma_start3A_62 : memref<80x16xf32, #tpu.memory_space<vmem_shared>>) target(%dma_start3A_60 : memref<80x16xf32, #tpu.memory_space<hbm>>) target_semaphore(%run_scoped3A_58 : memref<!tpu.dma_semaphore, #tpu.memory_space<semaphore_mem>>)
        %dma_wait3A = arith.constant 0 : i32
        %dma_wait3A_63 = tpu.memref_slice %arg3[%arg0, %mul3A_57, %dma_wait3A] : memref<2x10000x16xf32, #tpu.memory_space<hbm>> -> memref<1x80x16xf32, #tpu.memory_space<hbm>>
        %dma_wait3A_64 = tpu.memref_squeeze %dma_wait3A_63 : memref<1x80x16xf32, #tpu.memory_space<hbm>> -> memref<80x16xf32, #tpu.memory_space<hbm>>
        %dma_wait3A_65 = arith.constant 0 : i32
        %dma_wait3A_66 = tpu.memref_slice %arg7[%mul3A_55, %dma_wait3A_65] : memref<10000x16xf32, #tpu.memory_space<vmem_shared>> -> memref<80x16xf32, #tpu.memory_space<vmem_shared>>
        tpu.wait_dma2 semaphore(%run_scoped3A_58 : memref<!tpu.dma_semaphore, #tpu.memory_space<semaphore_mem>>) src(%dma_wait3A_66 : memref<80x16xf32, #tpu.memory_space<vmem_shared>>) dst(%dma_wait3A_64 : memref<80x16xf32, #tpu.memory_space<hbm>>)
        tpu.yield
      }) : () -> ()
    }
    return
  }
}

module attributes {stable_mosaic.version = 14 : i64} {
  func.func @body(%arg0: i32, %arg1: memref<1000x128xf32, #tpu.memory_space<vmem>>, %arg2: memref<128x128xf32, #tpu.memory_space<vmem>>, %arg3: memref<2x1000x16xf32, #tpu.memory_space<vmem>>, %arg4: memref<1000x128xf32, #tpu.memory_space<vmem>>) attributes {dimension_semantics = [#tpu.dimension_semantics<arbitrary>], iteration_bounds = array<i64: 10>, scalar_prefetch = 0 : i64, scratch_operands = 0 : i64, tpu.core_type = #tpu.core_type<tc>, window_params = [{transform_indices = @transform_0, window_bounds = array<i64: 1000, 128>}, {pipeline_mode = #tpu.pipeline_mode<synchronous>, transform_indices = @transform_1, window_bounds = array<i64: 128, 128>}, {transform_indices = @transform_2, window_bounds = array<i64: 2, 1000, 16>}, {transform_indices = @transform_3, window_bounds = array<i64: 1000, 128>}]} {
    %get3A = arith.constant 0 : index
    %get3A_0 = arith.constant 0 : index
    %get3A_1 = vector.load %arg1[%get3A, %get3A_0] : memref<1000x128xf32, #tpu.memory_space<vmem>>, vector<1000x128xf32>
    %get3A_2 = arith.constant 0 : index
    %get3A_3 = arith.constant 0 : index
    %get3A_4 = vector.load %arg2[%get3A_2, %get3A_3] : memref<128x128xf32, #tpu.memory_space<vmem>>, vector<128x128xf32>
    %dot_general3A = arith.constant dense<0.000000e+00> : vector<1000x128xf32>
    %dot_general3A_5 = tpu.matmul %get3A_1, %get3A_4, %dot_general3A {dimension_numbers = #tpu.dot_dimension_numbers<[1], [0], [0], [1], [0, 0, 1, 1], [], []>, transpose_lhs_hint = false} : vector<1000x128xf32>, vector<128x128xf32>, vector<1000x128xf32> -> vector<1000x128xf32>
    %get3A_6 = arith.constant 0 : index
    %get3A_7 = arith.constant 0 : index
    %get3A_8 = arith.constant 0 : index
    %get3A_9 = vector.load %arg3[%get3A_6, %get3A_7, %get3A_8] : memref<2x1000x16xf32, #tpu.memory_space<vmem>>, vector<1x1000x1xf32>
    %get3A_10 = vector.shape_cast %get3A_9 : vector<1x1000x1xf32> to vector<1000x1xf32>
    %get3A_11 = arith.constant 1 : index
    %get3A_12 = arith.constant 0 : index
    %get3A_13 = arith.constant 0 : index
    %get3A_14 = vector.load %arg3[%get3A_11, %get3A_12, %get3A_13] : memref<2x1000x16xf32, #tpu.memory_space<vmem>>, vector<1x1000x1xf32>
    %get3A_15 = vector.shape_cast %get3A_14 : vector<1x1000x1xf32> to vector<1000x1xf32>
    %add3A = arith.addf %get3A_10, %get3A_15 : vector<1000x1xf32>
    %add3A_16 = arith.constant 1.000000e+00 : f32
    %add3A_17 = vector.broadcast %add3A_16 : f32 to vector<1000x1xf32>
    %add3A_18 = arith.addf %add3A, %add3A_17 : vector<1000x1xf32>
    %rsqrt3A = math.rsqrt %add3A_18 : vector<1000x1xf32>
    %mul3A = vector.broadcast %rsqrt3A : vector<1000x1xf32> to vector<1000x128xf32>
    %mul3A_19 = arith.mulf %dot_general3A_5, %mul3A : vector<1000x128xf32>
    %swap3A = arith.constant 0 : index
    %swap3A_20 = arith.constant 0 : index
    %swap3A_21 = vector.load %arg4[%swap3A, %swap3A_20] : memref<1000x128xf32, #tpu.memory_space<vmem>>, vector<1000x128xf32>
    tpu.vector_store %arg4[%swap3A, %swap3A_20], %mul3A_19 {strides = array<i32>} : memref<1000x128xf32, #tpu.memory_space<vmem>>, vector<1000x128xf32>,
    return
  }
  func.func @transform_0(%arg0: i32) -> (i32, i32) {
    %c0_i32 = arith.constant 0 : i32
    %c0_i32_0 = arith.constant 0 : i32
    return %arg0, %c0_i32 : i32, i32
  }
  func.func @transform_1(%arg0: i32) -> (i32, i32) {
    %c0_i32 = arith.constant 0 : i32
    %c0_i32_0 = arith.constant 0 : i32
    %c0_i32_1 = arith.constant 0 : i32
    return %c0_i32, %c0_i32_0 : i32, i32
  }
  func.func @transform_2(%arg0: i32) -> (i32, i32, i32) {
    %c0_i32 = arith.constant 0 : i32
    %c0_i32_0 = arith.constant 0 : i32
    %c0_i32_1 = arith.constant 0 : i32
    return %c0_i32, %arg0, %c0_i32_0 : i32, i32, i32
  }
  func.func @transform_3(%arg0: i32) -> (i32, i32) {
    %c0_i32 = arith.constant 0 : i32
    %c0_i32_0 = arith.constant 0 : i32
    return %arg0, %c0_i32 : i32, i32
  }
}

module attributes {stable_mosaic.version = 14 : i64} {
  func.func @body(%arg0: i32, %arg1: memref<1000x128xf32, #tpu.memory_space<vmem>>, %arg2: memref<2x1000x128xf32, #tpu.memory_space<vmem>>, %arg3: memref<2x1000x16xf32, #tpu.memory_space<vmem>>, %arg4: memref<1x128xf32, #tpu.memory_space<vmem>>, %arg5: memref<1000x128xf32, #tpu.memory_space<vmem>>) attributes {dimension_semantics = [#tpu.dimension_semantics<arbitrary>], iteration_bounds = array<i64: 10>, scalar_prefetch = 0 : i64, scratch_operands = 0 : i64, tpu.core_type = #tpu.core_type<tc>, window_params = [{transform_indices = @transform_0, window_bounds = array<i64: 1000, 128>}, {transform_indices = @transform_1, window_bounds = array<i64: 2, 1000, 128>}, {transform_indices = @transform_2, window_bounds = array<i64: 2, 1000, 16>}, {pipeline_mode = #tpu.pipeline_mode<synchronous>, transform_indices = @transform_3, window_bounds = array<i64: 1, 128>}, {transform_indices = @transform_4, window_bounds = array<i64: 1000, 128>}]} {
    %get3A = arith.constant 0 : index
    %get3A_0 = arith.constant 0 : index
    %get3A_1 = arith.constant 0 : index
    %get3A_2 = vector.load %arg3[%get3A, %get3A_0, %get3A_1] : memref<2x1000x16xf32, #tpu.memory_space<vmem>>, vector<1x1000x1xf32>
    %get3A_3 = vector.shape_cast %get3A_2 : vector<1x1000x1xf32> to vector<1000x1xf32>
    %get3A_4 = arith.constant 1 : index
    %get3A_5 = arith.constant 0 : index
    %get3A_6 = arith.constant 0 : index
    %get3A_7 = vector.load %arg3[%get3A_4, %get3A_5, %get3A_6] : memref<2x1000x16xf32, #tpu.memory_space<vmem>>, vector<1x1000x1xf32>
    %get3A_8 = vector.shape_cast %get3A_7 : vector<1x1000x1xf32> to vector<1000x1xf32>
    %add3A = arith.addf %get3A_3, %get3A_8 : vector<1000x1xf32>
    %add3A_9 = arith.constant 1.000000e+00 : f32
    %add3A_10 = vector.broadcast %add3A_9 : f32 to vector<1000x1xf32>
    %add3A_11 = arith.addf %add3A, %add3A_10 : vector<1000x1xf32>
    %rsqrt3A = math.rsqrt %add3A_11 : vector<1000x1xf32>
    %get3A_12 = arith.constant 0 : index
    %get3A_13 = arith.constant 0 : index
    %get3A_14 = arith.constant 0 : index
    %get3A_15 = vector.load %arg2[%get3A_12, %get3A_13, %get3A_14] : memref<2x1000x128xf32, #tpu.memory_space<vmem>>, vector<1x1000x128xf32>
    %get3A_16 = vector.shape_cast %get3A_15 : vector<1x1000x128xf32> to vector<1000x128xf32>
    %get3A_17 = arith.constant 1 : index
    %get3A_18 = arith.constant 0 : index
    %get3A_19 = arith.constant 0 : index
    %get3A_20 = vector.load %arg2[%get3A_17, %get3A_18, %get3A_19] : memref<2x1000x128xf32, #tpu.memory_space<vmem>>, vector<1x1000x128xf32>
    %get3A_21 = vector.shape_cast %get3A_20 : vector<1x1000x128xf32> to vector<1000x128xf32>
    %add3A_22 = arith.addf %get3A_16, %get3A_21 : vector<1000x128xf32>
    %get3A_23 = arith.constant 0 : index
    %get3A_24 = arith.constant 0 : index
    %get3A_25 = vector.load %arg1[%get3A_23, %get3A_24] : memref<1000x128xf32, #tpu.memory_space<vmem>>, vector<1000x128xf32>
    %add3A_26 = arith.addf %add3A_22, %get3A_25 : vector<1000x128xf32>
    %mul3A = vector.broadcast %rsqrt3A : vector<1000x1xf32> to vector<1000x128xf32>
    %mul3A_27 = arith.mulf %mul3A, %add3A_26 : vector<1000x128xf32>
    %get3A_28 = arith.constant 0 : index
    %get3A_29 = arith.constant 0 : index
    %get3A_30 = vector.load %arg4[%get3A_28, %get3A_29] : memref<1x128xf32, #tpu.memory_space<vmem>>, vector<1x128xf32>
    %add3A_31 = vector.broadcast %get3A_30 : vector<1x128xf32> to vector<1000x128xf32>
    %add3A_32 = arith.addf %mul3A_27, %add3A_31 : vector<1000x128xf32>
    %swap3A = arith.constant 0 : index
    %swap3A_33 = arith.constant 0 : index
    %swap3A_34 = vector.load %arg5[%swap3A, %swap3A_33] : memref<1000x128xf32, #tpu.memory_space<vmem>>, vector<1000x128xf32>
    tpu.vector_store %arg5[%swap3A, %swap3A_33], %add3A_32 {strides = array<i32>} : memref<1000x128xf32, #tpu.memory_space<vmem>>, vector<1000x128xf32>,
    return
  }
  func.func @transform_0(%arg0: i32) -> (i32, i32) {
    %c0_i32 = arith.constant 0 : i32
    %c0_i32_0 = arith.constant 0 : i32
    return %arg0, %c0_i32 : i32, i32
  }
  func.func @transform_1(%arg0: i32) -> (i32, i32, i32) {
    %c0_i32 = arith.constant 0 : i32
    %c0_i32_0 = arith.constant 0 : i32
    %c0_i32_1 = arith.constant 0 : i32
    return %c0_i32, %arg0, %c0_i32_0 : i32, i32, i32
  }
  func.func @transform_2(%arg0: i32) -> (i32, i32, i32) {
    %c0_i32 = arith.constant 0 : i32
    %c0_i32_0 = arith.constant 0 : i32
    %c0_i32_1 = arith.constant 0 : i32
    return %c0_i32, %arg0, %c0_i32_0 : i32, i32, i32
  }
  func.func @transform_3(%arg0: i32) -> (i32, i32) {
    %c0_i32 = arith.constant 0 : i32
    %c0_i32_0 = arith.constant 0 : i32
    %c0_i32_1 = arith.constant 0 : i32
    return %c0_i32, %c0_i32_0 : i32, i32
  }
  func.func @transform_4(%arg0: i32) -> (i32, i32) {
    %c0_i32 = arith.constant 0 : i32
    %c0_i32_0 = arith.constant 0 : i32
    return %arg0, %c0_i32 : i32, i32
  }
}

</mosaic_0001>

<sc_bundles>
// kernel: kernel.6.cloned.1.call-start
scs
__scs_entry_jumppad:
0x0: {  	(pc) =	sbr.rel $0x88, $3  }
0x1: {  	(tag) =	ssettag $0x0;
	lr =	simm.s32 $0x1  }
0x2: {  	[smem:$0x3F9D] =	sst lr;
	_ =	strace $0xD0000000  }
0x3: {  	_ = 	snop  }
0x4: {  	_ = 	snop  }
0x5: {  	_ = 	snop  }
0x6: {  	_ = 	snop  }
0x7: {  	_ = 	snop  }
__scs_overlays_trampoline_lowered:
0x8: {  	[smem:$0x3FAC] =	sst s0  }
0x9: {  	[smem:$0x3FAD] =	sst s1  }
0xa: {  	[smem:$0x3FAE] =	sst s2  }
0xb: {  	[smem:$0x3FAF] =	sst s3  }
0xc: {  	[smem:$0x3FB0] =	sst s4  }
0xd: {  	[smem:$0x3FB1] =	sst s5  }
0xe: {  	[smem:$0x3FB2] =	sst s6  }
0xf: {  	[smem:$0x3FB3] =	sst s7  }
0x10: {  	[smem:$0x3FB4] =	sst s8  }
0x11: {  	[smem:$0x3FB5] =	sst s9;
	s0 =	simm.s32 @!p0 $0x0  }
0x12: {  	s1 =	sld [smem:$0x3F9B];
	s0 =	simm.s32 @p0 $0x1  }
0x13: {  	[smem:$0x3FB6] =	sst s0;
	s0 =	simm.s32 @!p1 $0x0  }
0x14: {  	s2 =	sld [smem:$0x3F9A];
	s0 =	simm.s32 @p1 $0x1  }
0x15: {  	[smem:$0x3FB7] =	sst s0;
	s0 =	simm.s32 @!p2 $0x0  }
0x16: {  	s3 =	sld [smem:$0x3FDB];
	s0 =	simm.s32 @p2 $0x1  }
0x17: {  	s4 =	simm.s32 $0x1BF5;
	[smem:$0x3FB9] =	sst s0  }
0x18: {  	s0 =	sld [smem:$0x3F9C];
	_ =	swait.ge [sflag:s4], $0x0  }
0x19: {  	s7 =	sld [smem:$0x3F9D]  }
0x1a: {  	s8 =	sadd.s32 $0xFFFFE003, lr  }
0x1b: {  	s9 =	sadd.s32 $0xFFFFFEF7, lr;
	s5 =	simm.s32 $0xFFFFFFFF;
	p2 =	slt.u32 s8, $0xFFFFF086  }
0x1c: {  	p1 =	slt.u32 s9, $0xF7A;
	s5 =	simm.s32 @!p2 $0x0  }
0x1d: {  	s5 =	simm.s32 @p1 $0x1;
	p0 =	seq.s32 s7, s2  }
0x1e: {  	s7 =	smul.u32 @!p0 $0xF7A, s2;
	p2 =	seq.s32 @!p0 s5, $0x0  }
0x1f: {  	s9 =	smul.u32 $0xF7A, s1;
	s8 =	simm.s32 @!p0 $0x1BF5;
	p2 =	por !p2, p0  }
0x20: {  	[sflag:s8] =	ssyncset.s32 @!p0 $0xFFFFF086;
	s6 =	sadd.s32 @!p0 s3, s7;
	s7 =	simm.s32 @!p0 $0x108  }
0x21: {  	s3 =	sadd.s32 s3, s9;
	s6 =	sadd.s32 @!p0 $0x88, s6;
	s7 =	simm.s32 @p2 $0x1082  }
0x22: {  	[simem:s7], [sflag:s8] =	dma.local @!p0 [hbm:s6], $0xF7A  }
0x23: {  	s9 =	sor.u32 $0xD0000000, s2;
	s6 =	simm.s32 $0x108;
	_ =	swait.ge @!p0 [sflag:s8], $0x0  }
0x24: {  	s3 =	sadd.s32 $0x88, s3;
	s6 =	simm.s32 @!p1 $0x1082;
	[sflag:s4] =	ssyncset.s32 $0xFFFFF086  }
0x25: {  	[simem:s6], [sflag:s4] =	dma.local [hbm:s3], $0xF7A  }
0x26: {  	[smem:$0x3F9D] =	sst s1;
	(tag) =	ssettag s2;
	_ =	strace s9  }
0x27: {  	s1 =	sld [smem:$0x3FAD]  }
0x28: {  	s2 =	sld [smem:$0x3FAE]  }
0x29: {  	s4 =	sld [smem:$0x3FB0]  }
0x2a: {  	p0 =	seq.s32 s5, $0x0;
	s5 =	sld [smem:$0x3FB1]  }
0x2b: {  	s6 =	sld [smem:$0x3FB2]  }
0x2c: {  	s7 =	sld [smem:$0x3FB3]  }
0x2d: {  	s3 =	simm.s32 $0x108;
	s8 =	sld [smem:$0x3FB4]  }
0x2e: {  	s3 =	simm.s32 @!p0 $0x1082;
	s9 =	sld [smem:$0x3FB5]  }
0x2f: {  	lr =	sadd.s32 s0, s3;
	s0 =	sld [smem:$0x3FAC]  }
0x30: {  	s3 =	sld [smem:$0x3FAF]  }
0x31: {  	[smem:$0x3FB8] =	sst s10  }
0x32: {  	s10 =	sld [smem:$0x3FB6];
	_ =	sdelay $0x3  }
0x33: {  	p0 =	seq.s32 s10, $0x1;
	s10 =	sld [smem:$0x3FB8];
	_ =	sdelay $0x3  }
0x34: {  	[smem:$0x3FB8] =	sst s10  }
0x35: {  	s10 =	sld [smem:$0x3FB7];
	_ =	sdelay $0x3  }
0x36: {  	p1 =	seq.s32 s10, $0x1;
	s10 =	sld [smem:$0x3FB8];
	_ =	sdelay $0x3  }
0x37: {  	[smem:$0x3FB8] =	sst s10  }
0x38: {  	s10 =	sld [smem:$0x3FB9]  }
0x39: {  	_ = 	snop;
	(pc) =	sbr.ind lr, $3  }
0x3a: {  	_ = 	snop  }
0x3b: {  	_ = 	snop  }
0x3c: {  	p2 =	seq.s32 s10, $0x1;
	s10 =	sld [smem:$0x3FB8]  }
0x3d: {  	_ =	shalt  }
0x3e: {  	_ =	shalt  }
0x3f: {  	_ =	shalt  }
0x40: {  	_ =	shalt  }
0x41: {  	_ =	shalt  }
0x42: {  	_ =	shalt  }
0x43: {  	_ =	shalt  }
0x44: {  	_ =	shalt  }
0x45: {  	_ =	shalt  }
0x46: {  	_ =	shalt  }
0x47: {  	_ =	shalt  }
0x48: {  	_ =	shalt  }
0x49: {  	_ =	shalt  }
0x4a: {  	_ =	shalt  }
0x4b: {  	_ =	shalt  }
0x4c: {  	_ =	shalt  }
0x4d: {  	_ =	shalt  }
0x4e: {  	_ =	shalt  }
0x4f: {  	_ =	shalt  }
0x50: {  	_ =	shalt  }
0x51: {  	_ =	shalt  }
0x52: {  	_ =	shalt  }
0x53: {  	_ =	shalt  }
0x54: {  	_ =	shalt  }
0x55: {  	_ =	shalt  }
0x56: {  	_ =	shalt  }
0x57: {  	_ =	shalt  }
0x58: {  	_ =	shalt  }
0x59: {  	_ =	shalt  }
0x5a: {  	_ =	shalt  }
0x5b: {  	_ =	shalt  }
0x5c: {  	_ =	shalt  }
0x5d: {  	_ =	shalt  }
0x5e: {  	_ =	shalt  }
0x5f: {  	_ =	shalt  }
0x60: {  	_ =	shalt  }
0x61: {  	_ =	shalt  }
0x62: {  	_ =	shalt  }
0x63: {  	_ =	shalt  }
0x64: {  	_ =	shalt  }
0x65: {  	_ =	shalt  }
0x66: {  	_ =	shalt  }
0x67: {  	_ =	shalt  }
0x68: {  	_ =	shalt  }
0x69: {  	_ =	shalt  }
0x6a: {  	_ =	shalt  }
0x6b: {  	_ =	shalt  }
0x6c: {  	_ =	shalt  }
0x6d: {  	_ =	shalt  }
0x6e: {  	_ =	shalt  }
0x6f: {  	_ =	shalt  }
0x70: {  	_ =	shalt  }
0x71: {  	_ =	shalt  }
0x72: {  	_ =	shalt  }
0x73: {  	_ =	shalt  }
0x74: {  	_ =	shalt  }
0x75: {  	_ =	shalt  }
0x76: {  	_ =	shalt  }
0x77: {  	_ =	shalt  }
0x78: {  	_ =	shalt  }
0x79: {  	_ =	shalt  }
0x7a: {  	_ =	shalt  }
0x7b: {  	_ =	shalt  }
0x7c: {  	_ =	shalt  }
0x7d: {  	_ =	shalt  }
0x7e: {  	_ =	shalt  }
0x7f: {  	_ =	shalt  }
0x80: {  	_ =	shalt  }
0x81: {  	_ =	shalt  }
0x82: {  	_ =	shalt  }
0x83: {  	_ =	shalt  }
0x84: {  	_ =	shalt  }
0x85: {  	_ =	shalt  }
0x86: {  	_ =	shalt  }
0x87: {  	_ =	shalt  }
.Lfunc_end0:
.L_simem_size_0:
called_computation_lowered:
.L_overlay_start_0:
0x88: {  	s2 =	sld [smem:$0x3FD9]  }
0x89: {  	s3 =	sld [smem:$0x3FFE];
	_ =	sdelay $0x1  }
0x8a: {  	s1 =	srdreg.scid  }
0x8b: {  	s0 =	sand.u32 $0x1, s1  }
0x8c: {  	s17 =	sshll.u32 s0, $0xA;
	s2 =	sadd.s32 s3, s2  }
0x8d: {  	s2 =	sadd.s32 s2, s17  }
0x8e: {  	[smem:$0x3FC4] =	sst s2  }
0x8f: {  	_ = 	snop  }
0x90: {  	s2 =	sld [smem:$0x3FD0];
	(tm) =	ssettm $0x1  }
0x91: {  	s18 =	sld [smem:$0x3FFB];
	_ =	sdelay $0x3  }
0x92: {  	_ =	strace s18  }
0x93: {  	s3 =	sld [smem:$0x3FFC];
	_ =	sdelay $0x3  }
0x94: {  	_ =	strace s3  }
0x95: {  	s3 =	sld [smem:$0x3FFD];
	_ =	sdelay $0x3  }
0x96: {  	_ =	strace s3  }
0x97: {  	_ =	strace $0x8FFFFFFF  }
0x98: {  	s19 =	sld [smem:$0x3FDB];
	_ =	sdelay $0x1  }
0x99: {  	s4 =	simm.s32 $_scs_section_size  }
0x9a: {  	s5 =	simm.s32 $_size__tile_overlayer_lowered;
	s6 =	simm.s32 $_tile_overlayer_lowered  }
0x9b: {  	s22 =	simm.s32 $0x1BFF;
	s21 =	sshll.u32 s6, $0x1;
	s3 =	sadd.s32 s4, s19  }
0x9c: {  	s7 =	simm.s32 $0x0;
	s20 =	sshll.u32 s5, $0x1;
	s5 =	sadd.s32 s21, s3  }
0x9d: {  	[timem:s7], [sflag:s22] =	dma.local [hbm:s5], s20  }
0x9e: {  	_ =	swait.ge [sflag:s22], s20  }
0x9f: {  	s4 =	ssub.s32 $0x0, s20;
	[sflag:s22] =	ssyncset.done $0x0  }
0xa0: {  	[sflag:s22] =	ssyncadd.s32 s4;
	_ =	sdelay $0x1  }
0xa1: {  	s23 =	simm.s32 $0x1B8B  }
0xa2: {  	_ =	swait.ge [sflag:s23], $0x1  }
0xa3: {  	[sflag:s23] =	ssyncset.done $0x0  }
0xa4: {  	s25 =	simm.s32 $0x1B8E;
	s24 =	sld [smem:$0x3FFE];
	[sflag:s23] =	ssyncadd.s32 $0xFFFFFFFF  }
0xa5: {  	s26 =	simm.s32 $execute0_lowered;
	[smem:$0x3FD2] =	sst s25  }
0xa6: {  	s5 =	sshll.u32 s26, $0x1;
	_ =	strace $0x80000046;
	[dreg:$0x1] =	wrdreg $0xFFFFFFFF  }
0xa7: {  	s28 =	simm.s32 $_size_execute0_lowered;
	s3 =	sadd.s32 s3, s5;
	[dreg:$0x0] =	wrdreg $0x0  }
0xa8: {  	s5 =	sshll.u32 s28, $0x1;
	[dreg:$0x2] =	wrdreg s3  }
0xa9: {  	[dreg:$0x3] =	wrdreg s5  }
0xaa: {  	[dreg:$0x4] =	wrdreg $0xC0  }
0xab: {  	_ =	task [dreg:s7], $0x5FFFF  }
0xac: {  	[dreg:$0x1] =	wrdreg $0xFFFFFFFF  }
0xad: {  	[dreg:$0x0] =	wrdreg $0x60  }
0xae: {  	[dreg:$0x2] =	wrdreg s24  }
0xaf: {  	[dreg:$0x3] =	wrdreg s2  }
0xb0: {  	[dreg:$0x4] =	wrdreg $0x31100  }
0xb1: {  	[dreg:$0x5] =	wrdreg $0x9  }
0xb2: {  	_ =	task.clear_ibuf [dreg:s7], $0x6FFFF;
	_ =	strace $0x90000046  }
0xb3: {  	s29 =	simm.s32 $0x9;
	_ =	strace $0x80000048  }
0xb4: {  	_ =	swait.ge [sflag:s29], $0x1  }
0xb5: {  	[sflag:s29] =	ssyncadd.s32 $0xFFFFFFFF  }
0xb6: {  	_ =	strace $0x90000048  }
0xb7: {  	_ =	sfence  }
0xb8: {  	s30 =	sld [smem:$0x0];
	_ =	sdelay $0x2  }
0xb9: {  	s31 =	sshll.u32 s1, $0xD;
	s1 =	sshrl.u32 s1, $0x2  }
0xba: {  	s3 =	sand.u32 $0x4000, s31;
	s1 =	sadd.s32 s1, s30  }
0xbb: {  	s0 =	sor.u32 s3, s0;
	s1 =	sshll.u32 s1, $0x11  }
0xbc: {  	s0 =	sor.u32 s1, s0  }
0xbd: {  	s0 =	sadd.s32 $0x8F2B, s0  }
0xbe: {  	[sflag:s0] =	ssyncadd.remote.s32 $0x1  }
0xbf: {  	_ =	sfence.sel $0xFFFF  }
0xc0: {  	[dreg:$0x0] =	wrdreg $0xFFFFFFFF;
	(pc) =	sbr.abs _section_cstart, $3  }
0xc1: {  	[dreg:$0x1] =	wrdreg $0xFFFFFFFF  }
0xc2: {  	_ =	task.clear_ibuf [dreg:s7], $0x2FFFF;
	_ =	strace $0x9FFFFFFF  }
0xc3: {  	(tm) =	ssettm $0x7FFFFFFF  }
tec
execute0_lowered:
.L_overlay_start_1:
0x0: {  	(tag) =	ssettag $0x1  }
0x1: {  	s4 =	rddreg [dreg:$0x0]  }
0x2: {  	s8 =	rddreg [dreg:$0x1]  }
0x3: {  	s0 =	srdreg.scid;
	s2 =	rddreg [dreg:$0x2]  }
0x4: {  	s3 =	simm.s32 $0x0;
	s11 =	simm.s32 $0x50;
	s12 =	simm.s32 $0x2710  }
0x5: {  	s13 =	simm.s32 $0x1;
	s5 =	sand.u32 $0x1, s0;
	s0 =	stileid.u32  }
0x6: {  	s15 =	simm.s32 $0x0;
	[smem:$0x7FF] =	sst s3;
	s7 =	smul.u32 $0x27100, s5  }
0x7: {  	s1 =	sshll.u32 s5, $0x4;
	s5 =	ssub.s32 $0x2, s5;
	s9 =	smul.u32 $0x1400, s0  }
0x8: {  	s10 =	smul.u32 $0x500, s0;
	s30 =	ssub.s32 $0x8C, s0;
	s14 =	sshll.u32 s0, $0x6  }
0x9: {  	s6 =	sor.u32 s0, s1;
	s1 =	rddreg [dreg:$0x3];
	_ =	strace $0x80000047  }
0xa: {  	s29 =	sshrl.u32 s5, $0x1;
	s14 =	sor.u32 $0x1C02, s14;
	s9 =	sshrl.u32 s9, $0x2  }
0xb: {  	s6 =	smul.u32 $0x4E2, s6;
	s10 =	sadd.s32 s10, s7;
	s7 =	sadd.s32 s9, s2  }
0xc: {  	s31 =	sshrl.u32 s10, $0x3;
	s9 =	simm.s32 $0x2;
	s10 =	simm.s32 $0x2C10  }
0xd: {  	s4 =	sadd.s32 s6, s4;
	s6 =	ssub.s32 s5, s29;
	s5 =	sshrl.u32 s30, $0x4  }
0xe: {  	v0 =	vimm.f32 $1.000000000e+00;
	v1 =	vimm.f32 $0.0e+00;
	s8 =	sadd.s32 s31, s8;
	s4 =	sadd.s32 $0x1C00, s4;
	s6 =	smax.u32 s6, $0x1  }
.LBB2_1:
0xf: {  	[tilespmem:s3], [sflag:$0x2] =	stream.linear.gather [hbm4b:s4+s3], $0x2710, $0x38;
	[tilespmem:$0x5820] =	vst v63  }
0x10: {  	_ =	swait.ge [sflag:s9], $0x2710  }
0x11: {  	[sflag:s9] =	ssyncset.done $0x0  }
0x12: {  	s16 =	simm.s32 $0x0;
	[sflag:s9] =	ssyncadd.s32 $0xFFFFD8F0  }
.LBB2_2:
0x13: {  	p0 =	sne.s32 s16, $0x13C0  }
.Ltmp0:
0x14: {  	_ = 	snop;
	(pc) =	sbr.rel @p0 .LBB2_2-.Ltmp0, $3  }
0x15: {  	_ =	sdelay $0x1  }
0x16: {  	s17 =	sshra.s32 s16, $0x2  }
0x17: {  	s16 =	sadd.s32 $0x40, s16;
	[tilespmem:s17+$0x2710] =	vst v0  }
0x18: {  	s16 =	simm.s32 $0x40;
	s17 =	simm.s32 $0x0  }
.LBB2_4:
0x19: {  	p0 =	sne.s32 s16, $0x13C0;
	[tilespmem:s17+$0x2C10] =	vst v1;
	s17 =	smov.u32 s16;
	s16 =	sadd.s32 $0x40, s16  }
.Ltmp1:
0x1a: {  	(pc) =	sbr.rel @p0 .LBB2_4-.Ltmp1, $2  }
0x1b: {  	_ =	sdelay $0x2  }
0x1c: {  	s17 =	sshra.s32 s17, $0x2  }
0x1d: {  	p0 =	sne.s32 s5, $0x1  }
.Ltmp2:
0x1e: {  	_ = 	snop;
	(pc) =	sbr.rel @!p0 .LBB2_7-.Ltmp2, $4  }
0x1f: {  	[tilespmem:s17+$0x2C10] =	vst v1  }
0x20: {  	[spmem:s7] =	stream.linear.scatter [tilespmem:s10], [sflag:$0x2], $0x500, $0x38;
	[tilespmem:$0x5820] =	vst v63  }
0x21: {  	_ =	swait.ge [sflag:s9], $0x500  }
0x22: {  	s16 =	sadd.s32 $0xFFFFFFFF, s5;
	s17 =	smov.u32 s7;
	[sflag:s9] =	ssyncset.done $0x0  }
.LBB2_6:
0x23: {  	p1 =	sne.s32 s16, $0x1;
	[sflag:s9] =	ssyncadd.s32 $0xFFFFFB00;
	s17 =	sadd.s32 $0x5000, s17  }
.Ltmp3:
0x24: {  	s16 =	sadd.s32 $0xFFFFFFFF, s16;
	(pc) =	sbr.rel @p1 .LBB2_6-.Ltmp3, $4  }
0x25: {  	_ = 	snop  }
0x26: {  	[spmem:s17] =	stream.linear.scatter [tilespmem:s10], [sflag:$0x2], $0x500, $0x38;
	[tilespmem:$0x5820] =	vst v63  }
0x27: {  	_ =	swait.ge [sflag:s9], $0x500  }
0x28: {  	[sflag:s9] =	ssyncset.done $0x0  }
.LBB2_7:
0x29: {  	[sflag:s9] =	ssyncadd.s32 $0xFFFFFB00  }
0x2a: {  	s16 =	simm.s32 $0x0;
	[bflag:$0x0] =	sbarrier.arrive $0xFFFF  }
0x2b: {  	[spmem:s2] =	stream.indirect.scatter.add.f32 [tilespmem:s12], [sflag:$0x1], $0x10, s16, s11, $0xb8;
	[tilespmem:$0x5820] =	vst v63  }
0x2c: {  	s28 =	simm.s32 $0x50  }
0x2d: {  	[spmem:s2] =	stream.indirect.scatter.add.f32 [tilespmem:s12], [sflag:$0x1], $0x10, s28, s11, $0xb8;
	[tilespmem:$0x5820] =	vst v63  }
0x2e: {  	s29 =	simm.s32 $0xA0  }
0x2f: {  	[spmem:s2] =	stream.indirect.scatter.add.f32 [tilespmem:s12], [sflag:$0x1], $0x10, s29, s11, $0xb8;
	[tilespmem:$0x5820] =	vst v63  }
0x30: {  	s30 =	simm.s32 $0xF0  }
0x31: {  	[spmem:s2] =	stream.indirect.scatter.add.f32 [tilespmem:s12], [sflag:$0x1], $0x10, s30, s11, $0xb8;
	[tilespmem:$0x5820] =	vst v63  }
0x32: {  	s31 =	simm.s32 $0x140  }
0x33: {  	[spmem:s2] =	stream.indirect.scatter.add.f32 [tilespmem:s12], [sflag:$0x1], $0x10, s31, s11, $0xb8;
	[tilespmem:$0x5820] =	vst v63  }
0x34: {  	_ =	swait.ge [sflag:s13], $0x500  }
0x35: {  	[sflag:s13] =	ssyncset.done $0x0  }
0x36: {  	[sflag:s13] =	ssyncadd.s32 $0xFFFFFB00  }
0x37: {  	_ =	swait.ge [sflag:s13], $0x500  }
0x38: {  	[sflag:s13] =	ssyncset.done $0x0  }
0x39: {  	[sflag:s13] =	ssyncadd.s32 $0xFFFFFB00  }
0x3a: {  	_ =	swait.ge [sflag:s13], $0x500  }
0x3b: {  	[sflag:s13] =	ssyncset.done $0x0  }
0x3c: {  	[sflag:s13] =	ssyncadd.s32 $0xFFFFFB00  }
0x3d: {  	_ =	swait.ge [sflag:s13], $0x500  }
0x3e: {  	[sflag:s13] =	ssyncset.done $0x0  }
0x3f: {  	[sflag:s13] =	ssyncadd.s32 $0xFFFFFB00  }
0x40: {  	_ =	swait.ge [sflag:s13], $0x500  }
0x41: {  	s17 =	simm.s32 $0xC80;
	s16 =	simm.s32 $0x640;
	[sflag:s13] =	ssyncset.done $0x0  }
.LBB2_8:
0x42: {  	s18 =	sshra.s32 s16, $0x2  }
0x43: {  	[sflag:s13] =	ssyncadd.s32 $0xFFFFFB00;
	s16 =	smov.u32 s17;
	s19 =	sadd.s32 $0x640, s17  }
0x44: {  	[spmem:s2] =	stream.indirect.scatter.add.f32 [tilespmem:s12], [sflag:$0x1], $0x10, s18, s11, $0xb8;
	[tilespmem:$0x5820] =	vst v63  }
0x45: {  	p1 =	sne.s32 s17, $0x9600;
	s17 =	sadd.s32 $0x50, s18  }
0x46: {  	[spmem:s2] =	stream.indirect.scatter.add.f32 [tilespmem:s12], [sflag:$0x1], $0x10, s17, s11, $0xb8;
	[tilespmem:$0x5820] =	vst v63  }
0x47: {  	s17 =	sadd.s32 $0xA0, s18  }
0x48: {  	[spmem:s2] =	stream.indirect.scatter.add.f32 [tilespmem:s12], [sflag:$0x1], $0x10, s17, s11, $0xb8;
	[tilespmem:$0x5820] =	vst v63  }
0x49: {  	s17 =	sadd.s32 $0xF0, s18  }
0x4a: {  	[spmem:s2] =	stream.indirect.scatter.add.f32 [tilespmem:s12], [sflag:$0x1], $0x10, s17, s11, $0xb8;
	[tilespmem:$0x5820] =	vst v63  }
0x4b: {  	s17 =	sadd.s32 $0x140, s18  }
0x4c: {  	[spmem:s2] =	stream.indirect.scatter.add.f32 [tilespmem:s12], [sflag:$0x1], $0x10, s17, s11, $0xb8;
	[tilespmem:$0x5820] =	vst v63  }
0x4d: {  	_ =	swait.ge [sflag:s13], $0x500  }
0x4e: {  	[sflag:s13] =	ssyncset.done $0x0  }
0x4f: {  	[sflag:s13] =	ssyncadd.s32 $0xFFFFFB00  }
0x50: {  	_ =	swait.ge [sflag:s13], $0x500  }
0x51: {  	[sflag:s13] =	ssyncset.done $0x0  }
0x52: {  	[sflag:s13] =	ssyncadd.s32 $0xFFFFFB00  }
0x53: {  	_ =	swait.ge [sflag:s13], $0x500  }
0x54: {  	[sflag:s13] =	ssyncset.done $0x0  }
0x55: {  	[sflag:s13] =	ssyncadd.s32 $0xFFFFFB00  }
.Ltmp4:
0x56: {  	_ =	swait.ge [sflag:s13], $0x500;
	(pc) =	sbr.rel @p1 .LBB2_8-.Ltmp4, $4  }
0x57: {  	[sflag:s13] =	ssyncset.done $0x0  }
0x58: {  	[sflag:s13] =	ssyncadd.s32 $0xFFFFFB00  }
0x59: {  	_ =	swait.ge [sflag:s13], $0x500  }
0x5a: {  	s17 =	smov.u32 s19;
	[sflag:s13] =	ssyncset.done $0x0  }
0x5b: {  	s16 =	sshra.s32 s16, $0x2;
	[sflag:s13] =	ssyncadd.s32 $0xFFFFFB00  }
0x5c: {  	[spmem:s2] =	stream.indirect.scatter.add.f32 [tilespmem:s12], [sflag:$0x1], $0x10, s16, s11, $0xb8;
	[tilespmem:$0x5820] =	vst v63  }
0x5d: {  	s17 =	sadd.s32 $0x50, s16  }
0x5e: {  	[spmem:s2] =	stream.indirect.scatter.add.f32 [tilespmem:s12], [sflag:$0x1], $0x10, s17, s11, $0xb8;
	[tilespmem:$0x5820] =	vst v63  }
0x5f: {  	s29 =	sadd.s32 $0xA0, s16  }
0x60: {  	[spmem:s2] =	stream.indirect.scatter.add.f32 [tilespmem:s12], [sflag:$0x1], $0x10, s29, s11, $0xb8;
	[tilespmem:$0x5820] =	vst v63  }
0x61: {  	s30 =	sadd.s32 $0xF0, s16  }
0x62: {  	[spmem:s2] =	stream.indirect.scatter.add.f32 [tilespmem:s12], [sflag:$0x1], $0x10, s30, s11, $0xb8;
	[tilespmem:$0x5820] =	vst v63  }
0x63: {  	s16 =	sadd.s32 $0x140, s16  }
0x64: {  	[spmem:s2] =	stream.indirect.scatter.add.f32 [tilespmem:s12], [sflag:$0x1], $0x10, s16, s11, $0xb8;
	[tilespmem:$0x5820] =	vst v63  }
0x65: {  	_ =	swait.ge [sflag:s13], $0x500  }
0x66: {  	[sflag:s13] =	ssyncset.done $0x0  }
0x67: {  	[sflag:s13] =	ssyncadd.s32 $0xFFFFFB00  }
0x68: {  	_ =	swait.ge [sflag:s13], $0x500  }
0x69: {  	[sflag:s13] =	ssyncset.done $0x0  }
0x6a: {  	[sflag:s13] =	ssyncadd.s32 $0xFFFFFB00  }
0x6b: {  	_ =	swait.ge [sflag:s13], $0x500  }
0x6c: {  	[sflag:s13] =	ssyncset.done $0x0  }
0x6d: {  	[sflag:s13] =	ssyncadd.s32 $0xFFFFFB00  }
0x6e: {  	_ =	swait.ge [sflag:s13], $0x500  }
0x6f: {  	[sflag:s13] =	ssyncset.done $0x0  }
0x70: {  	[sflag:s13] =	ssyncadd.s32 $0xFFFFFB00  }
0x71: {  	_ =	swait.ge [sflag:s13], $0x500  }
0x72: {  	[sflag:s13] =	ssyncset.done $0x0  }
.Ltmp5:
0x73: {  	[sflag:s13] =	ssyncadd.s32 $0xFFFFFB00;
	(pc) =	sbr.rel @!p0 .LBB2_11-.Ltmp5, $4  }
0x74: {  	s31 =	sshrl.u32 s7, $0x3;
	[bflag:$0x0] =	sbarrier.arrive $0xFFFF  }
0x75: {  	[hbm:s8], [sflag:s14] =	dma.local [spmem:s31], $0xA0  }
0x76: {  	s18 =	smov.u32 s8;
	_ =	swait.ge [sflag:s9], $0xA0  }
0x77: {  	s17 =	sadd.s32 $0x5000, s7;
	s16 =	sadd.s32 $0xFFFFFFFF, s5;
	[sflag:s9] =	ssyncset.done $0x0  }
.LBB2_10:
0x78: {  	s19 =	sshrl.u32 s17, $0x3  }
0x79: {  	[sflag:s9] =	ssyncadd.s32 $0xFFFFFF60;
	s18 =	sadd.s32 $0xA00, s18;
	p0 =	sne.s32 s16, $0x1  }
0x7a: {  	[hbm:s18], [sflag:s14] =	dma.local [spmem:s19], $0xA0  }
.Ltmp6:
0x7b: {  	_ = 	snop;
	(pc) =	sbr.rel @p0 .LBB2_10-.Ltmp6, $4  }
0x7c: {  	_ = 	snop  }
0x7d: {  	s16 =	sadd.s32 $0xFFFFFFFF, s16  }
0x7e: {  	_ =	swait.ge [sflag:s9], $0xA0  }
0x7f: {  	s17 =	sadd.s32 $0x5000, s17;
	[sflag:s9] =	ssyncset.done $0x0  }
.LBB2_11:
0x80: {  	s15 =	sadd.s32 $0x1, s15  }
0x81: {  	p0 =	sne.s32 s15, s6  }
.Ltmp7:
0x82: {  	_ = 	snop;
	(pc) =	sbr.rel @p0 .LBB2_1-.Ltmp7, $2  }
0x83: {  	_ =	sdelay $0x2  }
0x84: {  	[sflag:s9] =	ssyncadd.s32 $0xFFFFFF60  }
0x85: {  	_ =	sfence.sel $0x180000  }
0x86: {  	[bflag:$0x0] =	sbarrier.arrive $0xFFFF  }
0x87: {  	p0 =	sne.s32 s0, $0x0;
	_ =	strace $0x90000047  }
0x88: {  	s0 =	sadd.s32 @!p0 $0x100000, s1;
	[bflag:$0x2] =	sbarrier.arrive $0xFFFF  }
0x89: {  	[sflag:s0] =	ssyncadd.tile.s32 @!p0 $0x1;
	_ =	shalt  }
.Lfunc_end2:
_tile_overlayer_lowered:
.L_overlay_start_2:
0x8a: {  	(tag) =	ssettag $0x2  }
0x8b: {  	s0 =	rddreg [dreg:$0x0];
	s2 =	stileid.u32  }
0x8c: {  	s1 =	rddreg [dreg:$0x1];
	p0 =	sne.s32 s2, $0x0  }
0x8d: {  	s3 =	rddreg [dreg:$0x2];
	[bflag:$0x3] =	sbarrier.arrive $0xFFFF;
	s2 =	simm.s32 @!p0 $0x1C02  }
0x8e: {  	[timem:s3], [sflag:s2] =	dma.local @!p0 [hbm:s0], s1  }
0x8f: {  	s0 =	simm.s32 @!p0 $0x2  }
0x90: {  	_ =	swait.ge @!p0 [sflag:s0], s1  }
0x91: {  	s1 =	ssub.s32 @!p0 $0x0, s1;
	[sflag:s0] =	ssyncset.done @!p0 $0x0  }
0x92: {  	[sflag:s0] =	ssyncadd.s32 @!p0 s1  }
0x93: {  	[bflag:$0x3] =	sbarrier.arrive $0xFFFF  }
0x94: {  	_ =	shalt  }

// kernel: kernel.9.cloned.1.call-start
scs
__scs_entry_jumppad:
0x0: {  	(pc) =	sbr.rel $0x88, $3  }
0x1: {  	(tag) =	ssettag $0x0;
	lr =	simm.s32 $0x1  }
0x2: {  	[smem:$0x3F9D] =	sst lr;
	_ =	strace $0xD0000000  }
0x3: {  	_ = 	snop  }
0x4: {  	_ = 	snop  }
0x5: {  	_ = 	snop  }
0x6: {  	_ = 	snop  }
0x7: {  	_ = 	snop  }
__scs_overlays_trampoline_lowered:
0x8: {  	[smem:$0x3FAC] =	sst s0  }
0x9: {  	[smem:$0x3FAD] =	sst s1  }
0xa: {  	[smem:$0x3FAE] =	sst s2  }
0xb: {  	[smem:$0x3FAF] =	sst s3  }
0xc: {  	[smem:$0x3FB0] =	sst s4  }
0xd: {  	[smem:$0x3FB1] =	sst s5  }
0xe: {  	[smem:$0x3FB2] =	sst s6  }
0xf: {  	[smem:$0x3FB3] =	sst s7  }
0x10: {  	[smem:$0x3FB4] =	sst s8  }
0x11: {  	[smem:$0x3FB5] =	sst s9;
	s0 =	simm.s32 @!p0 $0x0  }
0x12: {  	s1 =	sld [smem:$0x3F9B];
	s0 =	simm.s32 @p0 $0x1  }
0x13: {  	[smem:$0x3FB6] =	sst s0;
	s0 =	simm.s32 @!p1 $0x0  }
0x14: {  	s2 =	sld [smem:$0x3F9A];
	s0 =	simm.s32 @p1 $0x1  }
0x15: {  	[smem:$0x3FB7] =	sst s0;
	s0 =	simm.s32 @!p2 $0x0  }
0x16: {  	s3 =	sld [smem:$0x3FDB];
	s0 =	simm.s32 @p2 $0x1  }
0x17: {  	s4 =	simm.s32 $0x1BF5;
	[smem:$0x3FB9] =	sst s0  }
0x18: {  	s0 =	sld [smem:$0x3F9C];
	_ =	swait.ge [sflag:s4], $0x0  }
0x19: {  	s7 =	sld [smem:$0x3F9D]  }
0x1a: {  	s8 =	sadd.s32 $0xFFFFE003, lr  }
0x1b: {  	s9 =	sadd.s32 $0xFFFFFEF7, lr;
	s5 =	simm.s32 $0xFFFFFFFF;
	p2 =	slt.u32 s8, $0xFFFFF086  }
0x1c: {  	p1 =	slt.u32 s9, $0xF7A;
	s5 =	simm.s32 @!p2 $0x0  }
0x1d: {  	s5 =	simm.s32 @p1 $0x1;
	p0 =	seq.s32 s7, s2  }
0x1e: {  	s7 =	smul.u32 @!p0 $0xF7A, s2;
	p2 =	seq.s32 @!p0 s5, $0x0  }
0x1f: {  	s9 =	smul.u32 $0xF7A, s1;
	s8 =	simm.s32 @!p0 $0x1BF5;
	p2 =	por !p2, p0  }
0x20: {  	[sflag:s8] =	ssyncset.s32 @!p0 $0xFFFFF086;
	s6 =	sadd.s32 @!p0 s3, s7;
	s7 =	simm.s32 @!p0 $0x108  }
0x21: {  	s3 =	sadd.s32 s3, s9;
	s6 =	sadd.s32 @!p0 $0x88, s6;
	s7 =	simm.s32 @p2 $0x1082  }
0x22: {  	[simem:s7], [sflag:s8] =	dma.local @!p0 [hbm:s6], $0xF7A  }
0x23: {  	s9 =	sor.u32 $0xD0000000, s2;
	s6 =	simm.s32 $0x108;
	_ =	swait.ge @!p0 [sflag:s8], $0x0  }
0x24: {  	s3 =	sadd.s32 $0x88, s3;
	s6 =	simm.s32 @!p1 $0x1082;
	[sflag:s4] =	ssyncset.s32 $0xFFFFF086  }
0x25: {  	[simem:s6], [sflag:s4] =	dma.local [hbm:s3], $0xF7A  }
0x26: {  	[smem:$0x3F9D] =	sst s1;
	(tag) =	ssettag s2;
	_ =	strace s9  }
0x27: {  	s1 =	sld [smem:$0x3FAD]  }
0x28: {  	s2 =	sld [smem:$0x3FAE]  }
0x29: {  	s4 =	sld [smem:$0x3FB0]  }
0x2a: {  	p0 =	seq.s32 s5, $0x0;
	s5 =	sld [smem:$0x3FB1]  }
0x2b: {  	s6 =	sld [smem:$0x3FB2]  }
0x2c: {  	s7 =	sld [smem:$0x3FB3]  }
0x2d: {  	s3 =	simm.s32 $0x108;
	s8 =	sld [smem:$0x3FB4]  }
0x2e: {  	s3 =	simm.s32 @!p0 $0x1082;
	s9 =	sld [smem:$0x3FB5]  }
0x2f: {  	lr =	sadd.s32 s0, s3;
	s0 =	sld [smem:$0x3FAC]  }
0x30: {  	s3 =	sld [smem:$0x3FAF]  }
0x31: {  	[smem:$0x3FB8] =	sst s10  }
0x32: {  	s10 =	sld [smem:$0x3FB6];
	_ =	sdelay $0x3  }
0x33: {  	p0 =	seq.s32 s10, $0x1;
	s10 =	sld [smem:$0x3FB8];
	_ =	sdelay $0x3  }
0x34: {  	[smem:$0x3FB8] =	sst s10  }
0x35: {  	s10 =	sld [smem:$0x3FB7];
	_ =	sdelay $0x3  }
0x36: {  	p1 =	seq.s32 s10, $0x1;
	s10 =	sld [smem:$0x3FB8];
	_ =	sdelay $0x3  }
0x37: {  	[smem:$0x3FB8] =	sst s10  }
0x38: {  	s10 =	sld [smem:$0x3FB9]  }
0x39: {  	_ = 	snop;
	(pc) =	sbr.ind lr, $3  }
0x3a: {  	_ = 	snop  }
0x3b: {  	_ = 	snop  }
0x3c: {  	p2 =	seq.s32 s10, $0x1;
	s10 =	sld [smem:$0x3FB8]  }
0x3d: {  	_ =	shalt  }
0x3e: {  	_ =	shalt  }
0x3f: {  	_ =	shalt  }
0x40: {  	_ =	shalt  }
0x41: {  	_ =	shalt  }
0x42: {  	_ =	shalt  }
0x43: {  	_ =	shalt  }
0x44: {  	_ =	shalt  }
0x45: {  	_ =	shalt  }
0x46: {  	_ =	shalt  }
0x47: {  	_ =	shalt  }
0x48: {  	_ =	shalt  }
0x49: {  	_ =	shalt  }
0x4a: {  	_ =	shalt  }
0x4b: {  	_ =	shalt  }
0x4c: {  	_ =	shalt  }
0x4d: {  	_ =	shalt  }
0x4e: {  	_ =	shalt  }
0x4f: {  	_ =	shalt  }
0x50: {  	_ =	shalt  }
0x51: {  	_ =	shalt  }
0x52: {  	_ =	shalt  }
0x53: {  	_ =	shalt  }
0x54: {  	_ =	shalt  }
0x55: {  	_ =	shalt  }
0x56: {  	_ =	shalt  }
0x57: {  	_ =	shalt  }
0x58: {  	_ =	shalt  }
0x59: {  	_ =	shalt  }
0x5a: {  	_ =	shalt  }
0x5b: {  	_ =	shalt  }
0x5c: {  	_ =	shalt  }
0x5d: {  	_ =	shalt  }
0x5e: {  	_ =	shalt  }
0x5f: {  	_ =	shalt  }
0x60: {  	_ =	shalt  }
0x61: {  	_ =	shalt  }
0x62: {  	_ =	shalt  }
0x63: {  	_ =	shalt  }
0x64: {  	_ =	shalt  }
0x65: {  	_ =	shalt  }
0x66: {  	_ =	shalt  }
0x67: {  	_ =	shalt  }
0x68: {  	_ =	shalt  }
0x69: {  	_ =	shalt  }
0x6a: {  	_ =	shalt  }
0x6b: {  	_ =	shalt  }
0x6c: {  	_ =	shalt  }
0x6d: {  	_ =	shalt  }
0x6e: {  	_ =	shalt  }
0x6f: {  	_ =	shalt  }
0x70: {  	_ =	shalt  }
0x71: {  	_ =	shalt  }
0x72: {  	_ =	shalt  }
0x73: {  	_ =	shalt  }
0x74: {  	_ =	shalt  }
0x75: {  	_ =	shalt  }
0x76: {  	_ =	shalt  }
0x77: {  	_ =	shalt  }
0x78: {  	_ =	shalt  }
0x79: {  	_ =	shalt  }
0x7a: {  	_ =	shalt  }
0x7b: {  	_ =	shalt  }
0x7c: {  	_ =	shalt  }
0x7d: {  	_ =	shalt  }
0x7e: {  	_ =	shalt  }
0x7f: {  	_ =	shalt  }
0x80: {  	_ =	shalt  }
0x81: {  	_ =	shalt  }
0x82: {  	_ =	shalt  }
0x83: {  	_ =	shalt  }
0x84: {  	_ =	shalt  }
0x85: {  	_ =	shalt  }
0x86: {  	_ =	shalt  }
0x87: {  	_ =	shalt  }
.Lfunc_end0:
.L_simem_size_0:
called_computation.1_lowered:
.L_overlay_start_0:
0x88: {  	s2 =	sld [smem:$0x3FD9]  }
0x89: {  	s3 =	sld [smem:$0x3FFE];
	_ =	sdelay $0x1  }
0x8a: {  	s1 =	srdreg.scid  }
0x8b: {  	s0 =	sand.u32 $0x1, s1  }
0x8c: {  	s17 =	sshll.u32 s0, $0xA;
	s2 =	sadd.s32 s3, s2  }
0x8d: {  	s2 =	sadd.s32 s2, s17  }
0x8e: {  	[smem:$0x3FC4] =	sst s2  }
0x8f: {  	_ = 	snop  }
0x90: {  	s2 =	sld [smem:$0x3FD0];
	(tm) =	ssettm $0x1  }
0x91: {  	s18 =	sld [smem:$0x3FFB];
	_ =	sdelay $0x3  }
0x92: {  	_ =	strace s18  }
0x93: {  	s3 =	sld [smem:$0x3FFC];
	_ =	sdelay $0x3  }
0x94: {  	_ =	strace s3  }
0x95: {  	s3 =	sld [smem:$0x3FFD];
	_ =	sdelay $0x3  }
0x96: {  	_ =	strace s3  }
0x97: {  	_ =	strace $0x8FFFFFFF  }
0x98: {  	s19 =	sld [smem:$0x3FDB];
	_ =	sdelay $0x1  }
0x99: {  	s4 =	simm.s32 $_scs_section_size  }
0x9a: {  	s5 =	simm.s32 $_size__tile_overlayer_lowered;
	s6 =	simm.s32 $_tile_overlayer_lowered  }
0x9b: {  	s22 =	simm.s32 $0x1BFF;
	s21 =	sshll.u32 s6, $0x1;
	s3 =	sadd.s32 s4, s19  }
0x9c: {  	s7 =	simm.s32 $0x0;
	s20 =	sshll.u32 s5, $0x1;
	s5 =	sadd.s32 s21, s3  }
0x9d: {  	[timem:s7], [sflag:s22] =	dma.local [hbm:s5], s20  }
0x9e: {  	_ =	swait.ge [sflag:s22], s20  }
0x9f: {  	s4 =	ssub.s32 $0x0, s20;
	[sflag:s22] =	ssyncset.done $0x0  }
0xa0: {  	[sflag:s22] =	ssyncadd.s32 s4;
	_ =	sdelay $0x1  }
0xa1: {  	s23 =	simm.s32 $0x1B8B  }
0xa2: {  	_ =	swait.ge [sflag:s23], $0x1  }
0xa3: {  	[sflag:s23] =	ssyncset.done $0x0  }
0xa4: {  	s25 =	simm.s32 $0x1B8E;
	s24 =	sld [smem:$0x3FFE];
	[sflag:s23] =	ssyncadd.s32 $0xFFFFFFFF  }
0xa5: {  	s26 =	simm.s32 $execute0_lowered;
	[smem:$0x3FD2] =	sst s25  }
0xa6: {  	s5 =	sshll.u32 s26, $0x1;
	_ =	strace $0x80000049;
	[dreg:$0x1] =	wrdreg $0xFFFFFFFF  }
0xa7: {  	s28 =	simm.s32 $_size_execute0_lowered;
	s3 =	sadd.s32 s3, s5;
	[dreg:$0x0] =	wrdreg $0x0  }
0xa8: {  	s5 =	sshll.u32 s28, $0x1;
	[dreg:$0x2] =	wrdreg s3  }
0xa9: {  	[dreg:$0x3] =	wrdreg s5  }
0xaa: {  	[dreg:$0x4] =	wrdreg $0xC0  }
0xab: {  	_ =	task [dreg:s7], $0x5FFFF  }
0xac: {  	[dreg:$0x1] =	wrdreg $0xFFFFFFFF  }
0xad: {  	[dreg:$0x0] =	wrdreg $0x60  }
0xae: {  	[dreg:$0x2] =	wrdreg s2  }
0xaf: {  	[dreg:$0x3] =	wrdreg s24  }
0xb0: {  	[dreg:$0x4] =	wrdreg $0xC6200  }
0xb1: {  	[dreg:$0x5] =	wrdreg $0x9  }
0xb2: {  	_ =	task.clear_ibuf [dreg:s7], $0x6FFFF;
	_ =	strace $0x90000049  }
0xb3: {  	s29 =	simm.s32 $0x9;
	_ =	strace $0x8000004B  }
0xb4: {  	_ =	swait.ge [sflag:s29], $0x1  }
0xb5: {  	[sflag:s29] =	ssyncadd.s32 $0xFFFFFFFF  }
0xb6: {  	_ =	strace $0x9000004B  }
0xb7: {  	_ =	sfence  }
0xb8: {  	s30 =	sld [smem:$0x0];
	_ =	sdelay $0x2  }
0xb9: {  	s31 =	sshll.u32 s1, $0xD;
	s1 =	sshrl.u32 s1, $0x2  }
0xba: {  	s3 =	sand.u32 $0x4000, s31;
	s1 =	sadd.s32 s1, s30  }
0xbb: {  	s0 =	sor.u32 s3, s0;
	s1 =	sshll.u32 s1, $0x11  }
0xbc: {  	s0 =	sor.u32 s1, s0  }
0xbd: {  	s0 =	sadd.s32 $0x8F2B, s0  }
0xbe: {  	[sflag:s0] =	ssyncadd.remote.s32 $0x1  }
0xbf: {  	_ =	sfence.sel $0xFFFF  }
0xc0: {  	[dreg:$0x0] =	wrdreg $0xFFFFFFFF;
	(pc) =	sbr.abs _section_cstart, $3  }
0xc1: {  	[dreg:$0x1] =	wrdreg $0xFFFFFFFF  }
0xc2: {  	_ =	task.clear_ibuf [dreg:s7], $0x2FFFF;
	_ =	strace $0x9FFFFFFF  }
0xc3: {  	(tm) =	ssettm $0x7FFFFFFF  }
tec
execute0_lowered:
.L_overlay_start_1:
0x0: {  	(tag) =	ssettag $0x1  }
0x1: {  	s0 =	srdreg.scid;
	s2 =	rddreg [dreg:$0x0]  }
0x2: {  	s5 =	rddreg [dreg:$0x1];
	s4 =	simm.s32 $0x0;
	s11 =	simm.s32 $0x4  }
0x3: {  	s13 =	simm.s32 $0x4E20;
	s14 =	simm.s32 $0x50;
	s15 =	simm.s32 $0x7620  }
0x4: {  	s17 =	simm.s32 $0x9E20;
	s18 =	simm.s32 $0x1;
	s19 =	simm.s32 $0x2  }
0x5: {  	s20 =	simm.s32 $0x3;
	s21 =	simm.s32 $0x4C90;
	s22 =	simm.s32 $0x2670  }
0x6: {  	s23 =	simm.s32 $0x4CE0;
	s24 =	simm.s32 $0x26C0;
	s25 =	simm.s32 $0x4D30  }
0x7: {  	s28 =	simm.s32 $0x4DD0;
	s1 =	sand.u32 $0x1, s0;
	s0 =	stileid.u32  }
0x8: {  	s29 =	simm.s32 $0x0;
	[smem:$0x7FF] =	sst s4;
	s7 =	smul.u32 $0x138800, s1  }
0x9: {  	s3 =	sshll.u32 s1, $0x4;
	s8 =	smul.u32 $0x2800, s0;
	s1 =	ssub.s32 $0x2, s1  }
0xa: {  	s30 =	smul.u32 $0xA000, s0;
	s31 =	ssub.s32 $0x8C, s0;
	s3 =	sor.u32 s0, s3  }
0xb: {  	s26 =	sshrl.u32 s1, $0x1;
	s6 =	smul.u32 $0x2710, s3;
	s3 =	rddreg [dreg:$0x2]  }
0xc: {  	_ =	strace $0x8000004A;
	s7 =	sadd.s32 s8, s7;
	s1 =	ssub.s32 s1, s26  }
0xd: {  	s9 =	sshrl.u32 s30, $0x2;
	s26 =	simm.s32 $0x4D80;
	s7 =	sshrl.u32 s7, $0x3  }
0xe: {  	s8 =	smax.u32 s1, $0x1;
	s9 =	sadd.s32 s9, s3;
	s6 =	sshrl.u32 s6, $0x3  }
0xf: {  	s10 =	sadd.s32 s7, s5;
	s7 =	sshrl.u32 s31, $0x4;
	s6 =	sadd.s32 s6, s5  }
0x10: {  	v0 =	vimm.f32 $0.0e+00;
	s12 =	sadd.s32 $0x63800, s10;
	s5 =	sadd.s32 $0xB840, s6;
	s6 =	sadd.s32 $0x1C00, s6  }
.LBB2_1:
0x11: {  	[tilespmem:s4], [sflag:$0x4] =	stream.linear.gather [hbm4b:s5+s4], $0x2710, $0x38;
	[tilespmem:$0x1FEA0] =	vst v63  }
0x12: {  	_ =	swait.ge [sflag:s11], $0x2710  }
0x13: {  	[sflag:s11] =	ssyncset.done $0x0  }
0x14: {  	s1 =	simm.s32 $0x2710;
	[sflag:s11] =	ssyncadd.s32 $0xFFFFD8F0  }
0x15: {  	[tilespmem:s1], [sflag:$0x4] =	stream.linear.gather [hbm4b:s6+s4], $0x2710, $0x38;
	[tilespmem:$0x1FEA0] =	vst v63  }
0x16: {  	_ =	swait.ge [sflag:s11], $0x2710  }
0x17: {  	[sflag:s11] =	ssyncset.done $0x0  }
0x18: {  	s30 =	simm.s32 $0x70;
	s31 =	simm.s32 $0x3C0;
	[sflag:s11] =	ssyncadd.s32 $0xFFFFD8F0  }
.LBB2_2:
0x19: {  	p0 =	sne.s32 s31, $0x9FC0;
	[tilespmem:s30+$0x4E20] =	vst v0  }
0x1a: {  	[tilespmem:s30+$0x4DB0] =	vst v0  }
0x1b: {  	[tilespmem:s30+$0x4DC0] =	vst v0  }
.Ltmp0:
0x1c: {  	[tilespmem:s30+$0x4DD0] =	vst v0;
	(pc) =	sbr.rel @p0 .LBB2_2-.Ltmp0, $4  }
0x1d: {  	[tilespmem:s30+$0x4DE0] =	vst v0  }
0x1e: {  	[tilespmem:s30+$0x4DF0] =	vst v0  }
0x1f: {  	[tilespmem:s30+$0x4E00] =	vst v0  }
0x20: {  	[tilespmem:s30+$0x4E10] =	vst v0;
	s30 =	sshra.s32 s31, $0x2;
	s31 =	sadd.s32 $0x200, s31  }
0x21: {  	[tilespmem:s30+$0x4E20] =	vst v0  }
0x22: {  	[tilespmem:s30+$0x4DB0] =	vst v0  }
0x23: {  	[tilespmem:s30+$0x4DC0] =	vst v0  }
0x24: {  	[tilespmem:s30+$0x4DD0] =	vst v0  }
0x25: {  	[tilespmem:s30+$0x4DE0] =	vst v0  }
0x26: {  	[tilespmem:s30+$0x4DF0] =	vst v0;
	p0 =	sne.s32 s7, $0x1  }
.Ltmp1:
0x27: {  	[tilespmem:s30+$0x4E00] =	vst v0;
	(pc) =	sbr.rel @!p0 .LBB2_5-.Ltmp1, $4  }
0x28: {  	[tilespmem:s30+$0x4E10] =	vst v0  }
0x29: {  	[spmem:s9] =	stream.linear.scatter [tilespmem:s13], [sflag:$0x4], $0x2800, $0x38;
	[tilespmem:$0x1FEA0] =	vst v63  }
0x2a: {  	_ =	swait.ge [sflag:s11], $0x2800  }
0x2b: {  	s1 =	sadd.s32 $0xFFFFFFFF, s7;
	s10 =	smov.u32 s9;
	[sflag:s11] =	ssyncset.done $0x0  }
.LBB2_4:
0x2c: {  	p1 =	sne.s32 s1, $0x1;
	[sflag:s11] =	ssyncadd.s32 $0xFFFFD800;
	s10 =	sadd.s32 $0x28000, s10  }
.Ltmp2:
0x2d: {  	s1 =	sadd.s32 $0xFFFFFFFF, s1;
	(pc) =	sbr.rel @p1 .LBB2_4-.Ltmp2, $4  }
0x2e: {  	_ = 	snop  }
0x2f: {  	[spmem:s10] =	stream.linear.scatter [tilespmem:s13], [sflag:$0x4], $0x2800, $0x38;
	[tilespmem:$0x1FEA0] =	vst v63  }
0x30: {  	_ =	swait.ge [sflag:s11], $0x2800  }
0x31: {  	[sflag:s11] =	ssyncset.done $0x0  }
.LBB2_5:
0x32: {  	[sflag:s11] =	ssyncadd.s32 $0xFFFFD800  }
0x33: {  	s1 =	simm.s32 $0x0;
	[bflag:$0x0] =	sbarrier.arrive $0xFFFF  }
0x34: {  	[tilespmem:s13], [sflag:$0x1] =	stream.indirect.gather [hbm4b:s2+s14], $0x80, s1, s14, $0xb8;
	[tilespmem:$0x1FEA0] =	vst v63  }
0x35: {  	_ = 	snop  }
0x36: {  	[tilespmem:s15], [sflag:$0x2] =	stream.indirect.gather [hbm4b:s2+s14], $0x80, s14, s14, $0xb8;
	[tilespmem:$0x1FEA0] =	vst v63  }
0x37: {  	s10 =	simm.s32 $0xA0  }
0x38: {  	[tilespmem:s17], [sflag:$0x3] =	stream.indirect.gather [hbm4b:s2+s14], $0x80, s10, s14, $0xb8;
	[tilespmem:$0x1FEA0] =	vst v63  }
0x39: {  	_ =	swait.ge [sflag:s18], $0x2800  }
0x3a: {  	[sflag:s18] =	ssyncset.done $0x0  }
0x3b: {  	s16 =	simm.s32 $0x2710;
	[sflag:s18] =	ssyncadd.s32 $0xFFFFD800  }
0x3c: {  	[spmem:s3] =	stream.indirect.scatter.add.f32 [tilespmem:s13], [sflag:$0x4], $0x80, s16, s14, $0xb8;
	[tilespmem:$0x1FEA0] =	vst v63  }
0x3d: {  	_ =	swait.ge [sflag:s11], $0x2800  }
0x3e: {  	[sflag:s11] =	ssyncset.done $0x0  }
0x3f: {  	s31 =	simm.s32 $0xF0;
	[sflag:s11] =	ssyncadd.s32 $0xFFFFD800  }
0x40: {  	[tilespmem:s13], [sflag:$0x1] =	stream.indirect.gather [hbm4b:s2+s14], $0x80, s31, s14, $0xb8;
	[tilespmem:$0x1FEA0] =	vst v63  }
0x41: {  	_ =	swait.ge [sflag:s19], $0x2800  }
0x42: {  	[sflag:s19] =	ssyncset.done $0x0  }
0x43: {  	s10 =	simm.s32 $0x2760;
	[sflag:s19] =	ssyncadd.s32 $0xFFFFD800  }
0x44: {  	[spmem:s3] =	stream.indirect.scatter.add.f32 [tilespmem:s15], [sflag:$0x4], $0x80, s10, s14, $0xb8;
	[tilespmem:$0x1FEA0] =	vst v63  }
0x45: {  	_ =	swait.ge [sflag:s11], $0x2800  }
0x46: {  	[sflag:s11] =	ssyncset.done $0x0  }
0x47: {  	s16 =	simm.s32 $0x140;
	[sflag:s11] =	ssyncadd.s32 $0xFFFFD800  }
0x48: {  	[tilespmem:s15], [sflag:$0x2] =	stream.indirect.gather [hbm4b:s2+s14], $0x80, s16, s14, $0xb8;
	[tilespmem:$0x1FEA0] =	vst v63  }
0x49: {  	_ =	swait.ge [sflag:s20], $0x2800  }
0x4a: {  	[sflag:s20] =	ssyncset.done $0x0  }
0x4b: {  	s31 =	simm.s32 $0x27B0;
	[sflag:s20] =	ssyncadd.s32 $0xFFFFD800  }
0x4c: {  	[spmem:s3] =	stream.indirect.scatter.add.f32 [tilespmem:s17], [sflag:$0x4], $0x80, s31, s14, $0xb8;
	[tilespmem:$0x1FEA0] =	vst v63  }
0x4d: {  	_ =	swait.ge [sflag:s11], $0x2800  }
0x4e: {  	[sflag:s11] =	ssyncset.done $0x0  }
0x4f: {  	s30 =	simm.s32 $0x3C0;
	s1 =	simm.s32 $0x190;
	[sflag:s11] =	ssyncadd.s32 $0xFFFFD800  }
.LBB2_6:
0x50: {  	[tilespmem:s17], [sflag:$0x3] =	stream.indirect.gather [hbm4b:s2+s14], $0x80, s1, s14, $0xb8;
	[tilespmem:$0x1FEA0] =	vst v63  }
0x51: {  	s1 =	smov.u32 s30  }
0x52: {  	p1 =	sne.s32 s30, $0x9240;
	s30 =	sadd.s32 $0x3C0, s30;
	_ =	swait.ge [sflag:s18], $0x2800  }
0x53: {  	s1 =	sshra.s32 s1, $0x2;
	[sflag:s18] =	ssyncset.done $0x0  }
0x54: {  	s10 =	sadd.s32 $0x2710, s1;
	[sflag:s18] =	ssyncadd.s32 $0xFFFFD800  }
0x55: {  	[spmem:s3] =	stream.indirect.scatter.add.f32 [tilespmem:s13], [sflag:$0x4], $0x80, s10, s14, $0xb8;
	[tilespmem:$0x1FEA0] =	vst v63  }
0x56: {  	_ =	swait.ge [sflag:s11], $0x2800  }
0x57: {  	[sflag:s11] =	ssyncset.done $0x0  }
0x58: {  	s10 =	sadd.s32 $0xF0, s1;
	[sflag:s11] =	ssyncadd.s32 $0xFFFFD800  }
0x59: {  	[tilespmem:s13], [sflag:$0x1] =	stream.indirect.gather [hbm4b:s2+s14], $0x80, s10, s14, $0xb8;
	[tilespmem:$0x1FEA0] =	vst v63  }
0x5a: {  	_ =	swait.ge [sflag:s19], $0x2800  }
0x5b: {  	[sflag:s19] =	ssyncset.done $0x0  }
0x5c: {  	s10 =	sadd.s32 $0x2760, s1;
	[sflag:s19] =	ssyncadd.s32 $0xFFFFD800  }
0x5d: {  	[spmem:s3] =	stream.indirect.scatter.add.f32 [tilespmem:s15], [sflag:$0x4], $0x80, s10, s14, $0xb8;
	[tilespmem:$0x1FEA0] =	vst v63  }
0x5e: {  	_ =	swait.ge [sflag:s11], $0x2800  }
0x5f: {  	[sflag:s11] =	ssyncset.done $0x0  }
0x60: {  	s10 =	sadd.s32 $0x140, s1;
	[sflag:s11] =	ssyncadd.s32 $0xFFFFD800  }
0x61: {  	[tilespmem:s15], [sflag:$0x2] =	stream.indirect.gather [hbm4b:s2+s14], $0x80, s10, s14, $0xb8;
	[tilespmem:$0x1FEA0] =	vst v63  }
0x62: {  	_ =	swait.ge [sflag:s20], $0x2800  }
0x63: {  	[sflag:s20] =	ssyncset.done $0x0  }
.Ltmp3:
0x64: {  	s10 =	sadd.s32 $0x27B0, s1;
	[sflag:s20] =	ssyncadd.s32 $0xFFFFD800;
	(pc) =	sbr.rel @p1 .LBB2_6-.Ltmp3, $4  }
0x65: {  	[spmem:s3] =	stream.indirect.scatter.add.f32 [tilespmem:s17], [sflag:$0x4], $0x80, s10, s14, $0xb8;
	[tilespmem:$0x1FEA0] =	vst v63  }
0x66: {  	_ =	swait.ge [sflag:s11], $0x2800  }
0x67: {  	[sflag:s11] =	ssyncset.done $0x0  }
0x68: {  	s1 =	sadd.s32 $0x190, s1;
	[sflag:s11] =	ssyncadd.s32 $0xFFFFD800  }
0x69: {  	[tilespmem:s17], [sflag:$0x3] =	stream.indirect.gather [hbm4b:s2+s14], $0x80, s1, s14, $0xb8;
	[tilespmem:$0x1FEA0] =	vst v63  }
0x6a: {  	_ =	swait.ge [sflag:s18], $0x2800  }
0x6b: {  	[sflag:s18] =	ssyncset.done $0x0  }
0x6c: {  	[sflag:s18] =	ssyncadd.s32 $0xFFFFD800  }
0x6d: {  	[spmem:s3] =	stream.indirect.scatter.add.f32 [tilespmem:s13], [sflag:$0x4], $0x80, s21, s14, $0xb8;
	[tilespmem:$0x1FEA0] =	vst v63  }
0x6e: {  	_ =	swait.ge [sflag:s11], $0x2800  }
0x6f: {  	[sflag:s11] =	ssyncset.done $0x0  }
0x70: {  	[sflag:s11] =	ssyncadd.s32 $0xFFFFD800  }
0x71: {  	[tilespmem:s13], [sflag:$0x1] =	stream.indirect.gather [hbm4b:s2+s14], $0x80, s22, s14, $0xb8;
	[tilespmem:$0x1FEA0] =	vst v63  }
0x72: {  	_ =	swait.ge [sflag:s19], $0x2800  }
0x73: {  	[sflag:s19] =	ssyncset.done $0x0  }
0x74: {  	[sflag:s19] =	ssyncadd.s32 $0xFFFFD800  }
0x75: {  	[spmem:s3] =	stream.indirect.scatter.add.f32 [tilespmem:s15], [sflag:$0x4], $0x80, s23, s14, $0xb8;
	[tilespmem:$0x1FEA0] =	vst v63  }
0x76: {  	_ =	swait.ge [sflag:s11], $0x2800  }
0x77: {  	[sflag:s11] =	ssyncset.done $0x0  }
0x78: {  	[sflag:s11] =	ssyncadd.s32 $0xFFFFD800  }
0x79: {  	[tilespmem:s15], [sflag:$0x2] =	stream.indirect.gather [hbm4b:s2+s14], $0x80, s24, s14, $0xb8;
	[tilespmem:$0x1FEA0] =	vst v63  }
0x7a: {  	_ =	swait.ge [sflag:s20], $0x2800  }
0x7b: {  	[sflag:s20] =	ssyncset.done $0x0  }
0x7c: {  	[sflag:s20] =	ssyncadd.s32 $0xFFFFD800  }
0x7d: {  	[spmem:s3] =	stream.indirect.scatter.add.f32 [tilespmem:s17], [sflag:$0x4], $0x80, s25, s14, $0xb8;
	[tilespmem:$0x1FEA0] =	vst v63  }
0x7e: {  	_ =	swait.ge [sflag:s11], $0x2800  }
0x7f: {  	[sflag:s11] =	ssyncset.done $0x0  }
0x80: {  	[sflag:s11] =	ssyncadd.s32 $0xFFFFD800  }
0x81: {  	_ =	swait.ge [sflag:s18], $0x2800  }
0x82: {  	[sflag:s18] =	ssyncset.done $0x0  }
0x83: {  	[sflag:s18] =	ssyncadd.s32 $0xFFFFD800  }
0x84: {  	[spmem:s3] =	stream.indirect.scatter.add.f32 [tilespmem:s13], [sflag:$0x4], $0x80, s26, s14, $0xb8;
	[tilespmem:$0x1FEA0] =	vst v63  }
0x85: {  	_ =	swait.ge [sflag:s11], $0x2800  }
0x86: {  	[sflag:s11] =	ssyncset.done $0x0  }
0x87: {  	[sflag:s11] =	ssyncadd.s32 $0xFFFFD800  }
0x88: {  	_ =	swait.ge [sflag:s19], $0x2800  }
0x89: {  	[sflag:s19] =	ssyncset.done $0x0  }
0x8a: {  	[sflag:s19] =	ssyncadd.s32 $0xFFFFD800  }
0x8b: {  	[spmem:s3] =	stream.indirect.scatter.add.f32 [tilespmem:s15], [sflag:$0x4], $0x80, s28, s14, $0xb8;
	[tilespmem:$0x1FEA0] =	vst v63  }
0x8c: {  	_ =	swait.ge [sflag:s11], $0x2800  }
.Ltmp4:
0x8d: {  	[sflag:s11] =	ssyncset.done $0x0;
	(pc) =	sbr.rel @!p0 .LBB2_9-.Ltmp4, $4  }
0x8e: {  	s10 =	sshll.u32 s0, $0x6;
	s16 =	sshrl.u32 s9, $0x3;
	[sflag:s11] =	ssyncadd.s32 $0xFFFFD800  }
0x8f: {  	s31 =	sadd.s32 $0xFFFFFFFF, s7;
	s30 =	sor.u32 $0x1C04, s10;
	[bflag:$0x0] =	sbarrier.arrive $0xFFFF  }
0x90: {  	[hbm:s12], [sflag:s30] =	dma.local [spmem:s16], $0x500  }
0x91: {  	s1 =	sadd.s32 $0x28000, s9;
	s10 =	smov.u32 s12;
	_ =	swait.ge [sflag:s11], $0x500  }
.LBB2_8:
0x92: {  	[sflag:s11] =	ssyncset.done $0x0;
	s10 =	sadd.s32 $0x5000, s10;
	p0 =	sne.s32 s31, $0x1  }
.Ltmp5:
0x93: {  	s16 =	sshrl.u32 s1, $0x3;
	[sflag:s11] =	ssyncadd.s32 $0xFFFFFB00;
	(pc) =	sbr.rel @p0 .LBB2_8-.Ltmp5, $3  }
0x94: {  	[hbm:s10], [sflag:s30] =	dma.local [spmem:s16], $0x500  }
0x95: {  	s31 =	sadd.s32 $0xFFFFFFFF, s31;
	_ =	sdelay $0x1  }
0x96: {  	s1 =	sadd.s32 $0x28000, s1;
	_ =	swait.ge [sflag:s11], $0x500  }
.LBB2_9:
0x97: {  	s29 =	sadd.s32 $0x1, s29  }
0x98: {  	p0 =	sne.s32 s29, s8  }
.Ltmp6:
0x99: {  	_ = 	snop;
	(pc) =	sbr.rel @p0 .LBB2_1-.Ltmp6, $3  }
0x9a: {  	_ =	sdelay $0x1  }
0x9b: {  	[sflag:s11] =	ssyncset.done $0x0  }
0x9c: {  	[sflag:s11] =	ssyncadd.s32 $0xFFFFFB00  }
0x9d: {  	_ =	sfence.sel $0x180000  }
0x9e: {  	[bflag:$0x0] =	sbarrier.arrive $0xFFFF  }
0x9f: {  	_ =	strace $0x9000004A  }
0xa0: {  	[bflag:$0x2] =	sbarrier.arrive $0xFFFF  }
0xa1: {  	p0 =	sne.s32 s0, $0x0;
	s0 =	rddreg [dreg:$0x3]  }
0xa2: {  	s0 =	sadd.s32 @!p0 $0x100000, s0  }
0xa3: {  	[sflag:s0] =	ssyncadd.tile.s32 @!p0 $0x1;
	_ =	shalt  }
.Lfunc_end2:
_tile_overlayer_lowered:
.L_overlay_start_2:
0xa4: {  	(tag) =	ssettag $0x2  }
0xa5: {  	s0 =	rddreg [dreg:$0x0];
	s2 =	stileid.u32  }
0xa6: {  	s1 =	rddreg [dreg:$0x1];
	p0 =	sne.s32 s2, $0x0  }
0xa7: {  	s3 =	rddreg [dreg:$0x2];
	[bflag:$0x3] =	sbarrier.arrive $0xFFFF;
	s2 =	simm.s32 @!p0 $0x1C04  }
0xa8: {  	[timem:s3], [sflag:s2] =	dma.local @!p0 [hbm:s0], s1  }
0xa9: {  	s0 =	simm.s32 @!p0 $0x4  }
0xaa: {  	_ =	swait.ge @!p0 [sflag:s0], s1  }
0xab: {  	s1 =	ssub.s32 @!p0 $0x0, s1;
	[sflag:s0] =	ssyncset.done @!p0 $0x0  }
0xac: {  	[sflag:s0] =	ssyncadd.s32 @!p0 s1  }
0xad: {  	[bflag:$0x3] =	sbarrier.arrive $0xFFFF  }
0xae: {  	_ =	shalt  }

</sc_bundles>
